<compile_context>
chip_gen: v7x
topology: tpu7x:2x2x1
jax: 0.10.2.dev20260603
libtpu: 0.0.44.dev20260713+nightly
codegen_flags: <defaults>
</compile_context>

<pallas_src>
import jax
import jax.numpy as jnp
from jax import lax
from jax.experimental import pallas as pl
from jax.experimental.pallas import tpu as pltpu
from jax.experimental.pallas import tpu_sc as plsc

N = 10000
E = 320000
DF = 16

NW = 32
NB = 320
NPAD = NW * NB
CH = 3200
NCHUNK = E // CH
CHP = 3 * CH
CAP = 21504
CAPP = CAP + 16
CAPS = CAP + 48
HB = NB + 16
CH3 = 2000
EPT = E // NW

def _lane(v, k):
    i = lax.iota(jnp.int32, 16)
    z = jnp.zeros((16,), v.dtype)
    return jnp.sum(jnp.where(i == k, v, z))


def _matmul_body(x_ref, m_ref, b_ref, o_ref):
    o_ref[...] = jnp.dot(x_ref[...], m_ref[...],
                         preferred_element_type=jnp.float32) + b_ref[0, 0]


def _edge_scalar(edge_attr, W_e, b_e):
    j = lax.broadcasted_iota(jnp.int32, (2048, 128), 0)
    l = lax.broadcasted_iota(jnp.int32, (2048, 128), 1)
    M = jnp.where(j // DF == l, W_e[0][j % DF], 0.0)
    xv = edge_attr.reshape(2500, 2048)
    b = b_e.reshape(1, 1)
    out = pl.pallas_call(
        _matmul_body,
        in_specs=[
            pl.BlockSpec((2500, 2048), lambda: (0, 0)),
            pl.BlockSpec((2048, 128), lambda: (0, 0)),
            pl.BlockSpec(memory_space=pltpu.SMEM),
        ],
        out_specs=pl.BlockSpec((2500, 128), lambda: (0, 0)),
        out_shape=jax.ShapeDtypeStruct((2500, 128), jnp.float32),
    )(xv, M, b)
    return out.reshape(E)


def _graph_body(packed_hbm, wa_hbm,
                a_out_hbm,
                fd, fs, fv, ss, sv,
                hist, cursor, starts, wav, aout, sem0, sem1):
    i16 = lax.iota(jnp.int32, 16)
    z16f = jnp.zeros((16,), jnp.float32)
    z16i = jnp.zeros((16,), jnp.int32)
    wid = lax.axis_index("s") * 2 + lax.axis_index("c")
    base = wid * NB

    pltpu.sync_copy(wa_hbm, wav)
    wa = wav[...]

    def issue(c, off, sem):
        pltpu.async_copy(packed_hbm.at[pl.ds(c * CHP, CHP)],
                         ss.at[pl.ds(off, CHP)], sem)

    def drain(off, sem):
        pltpu.make_async_copy(packed_hbm.at[pl.ds(0, CHP)],
                              ss.at[pl.ds(off, CHP)], sem).wait()

    def process(off, cur):
        def half(o, cur):
            d = ss[pl.ds(o, 16)]
            s = ss[pl.ds(o + CH, 16)]
            v = plsc.bitcast(ss[pl.ds(o + 2 * CH, 16)], jnp.float32)
            rd = d - base
            m = plsc.bitcast(rd, jnp.uint32) < jnp.uint32(NB)
            pc = jnp.sum(jnp.where(m, jnp.ones((16,), jnp.float32),
                                   z16f)).astype(jnp.int32)
            cc = jnp.minimum(cur, CAP)
            plsc.store_compressed(fd.at[pl.ds(cc, 16)], rd, mask=m)
            plsc.store_compressed(fs.at[pl.ds(cc, 16)], s, mask=m)
            plsc.store_compressed(fv.at[pl.ds(cc, 16)], v, mask=m)
            cur = cur + pc
            rd2 = s - base
            m2 = plsc.bitcast(rd2, jnp.uint32) < jnp.uint32(NB)
            pc2 = jnp.sum(jnp.where(m2, jnp.ones((16,), jnp.float32),
                                    z16f)).astype(jnp.int32)
            cc2 = jnp.minimum(cur, CAP)
            plsc.store_compressed(fd.at[pl.ds(cc2, 16)], rd2, mask=m2)
            plsc.store_compressed(fs.at[pl.ds(cc2, 16)], d, mask=m2)
            plsc.store_compressed(fv.at[pl.ds(cc2, 16)], v, mask=m2)
            return cur + pc2

        def body(i, cur):
            o = off + i * 32
            cur = half(o, cur)
            return half(o + 16, cur)

        return lax.fori_loop(0, CH // 32, body, cur)

    issue(0, 0, sem0)

    def chunk2(c2, cur):
        c = c2 * 2
        issue(c + 1, CHP, sem1)
        drain(0, sem0)
        cur = process(0, cur)

        @pl.when(c2 + 1 < NCHUNK // 2)
        def _():
            issue(c + 2, 0, sem0)

        drain(CHP, sem1)
        return process(CHP, cur)

    cur = lax.fori_loop(0, NCHUNK // 2, chunk2, jnp.int32(0))
    cur = jnp.minimum(cur, CAP)

    fd[pl.ds(cur, 16)] = jnp.full((16,), NB, jnp.int32)
    fs[pl.ds(cur, 16)] = z16i
    fv[pl.ds(cur, 16)] = z16f
    nvec = cur // 16 + 1

    def zh(i, _):
        hist[pl.ds(i * 16, 16)] = z16f
        return 0

    lax.fori_loop(0, HB // 16, zh, 0)

    def hbody(i, _):
        rd = fd[pl.ds(i * 16, 16)]
        cnt, lastm = plsc.scan_count(rd)
        plsc.addupdate_scatter(hist, [rd], cnt.astype(jnp.float32),
                               mask=lastm)
        return 0

    lax.fori_loop(0, nvec, hbody, 0)

    def scan_body(i, carry):
        h = hist[pl.ds(i * 16, 16)]
        ex = plsc.cumsum(h) - h + carry
        cursor[pl.ds(i * 16, 16)] = ex
        starts[pl.ds(i * 16, 16)] = ex
        return carry + jnp.sum(h)

    lax.fori_loop(0, HB // 16, scan_body, jnp.float32(0))

    def pbody(i, _):
        rd = fd[pl.ds(i * 16, 16)]
        s = fs[pl.ds(i * 16, 16)]
        v = fv[pl.ds(i * 16, 16)]
        cnt, lastm = plsc.scan_count(rd)
        cntf = cnt.astype(jnp.float32)
        bpos = plsc.load_gather(cursor, [rd])
        pos = (bpos + cntf).astype(jnp.int32) - 1
        plsc.store_scatter(ss, [pos], s)
        plsc.store_scatter(sv, [pos], v)
        plsc.addupdate_scatter(cursor, [rd], cntf, mask=lastm)
        return 0

    lax.fori_loop(0, nvec, pbody, 0)

    mark, claim, table = fd, fs, fv

    def zm(i, _):
        mark[pl.ds(i * 16, 16)] = jnp.full((16,), -1, jnp.int32)
        return 0

    lax.fori_loop(0, N // 16, zm, 0)

    w0 = _lane(wa, 0)
    w1 = _lane(wa, 1)
    w2 = _lane(wa, 2)
    w3 = _lane(wa, 3)
    ba2 = _lane(wa, 4)

    def ic(x):
        r = 1.0 / x
        r = jnp.where(jnp.isnan(r), 1.0, r)
        r = jnp.where(r == jnp.inf, 1.0, r)
        return r

    def node_body(nr, _):
        stv = starts[pl.ds(nr, 16)]
        s0 = _lane(stv, 0).astype(jnp.int32)
        s1 = _lane(stv, 1).astype(jnp.int32)
        ln = s1 - s0
        nv = (ln + 15) // 16
        nabs = base + nr

        def pass_a(t, _):
            off = s0 + t * 16
            m = i16 < (ln - t * 16)
            s = jnp.where(m, ss[pl.ds(off, 16)], z16i)
            _, lastm = plsc.scan_count(s, mask=m)
            um = lastm & m
            mk = plsc.load_gather(mark, [s], mask=um)
            stale = (mk != nabs) & um
            plsc.store_scatter(mark, [s], jnp.full((16,), nabs, jnp.int32),
                               mask=stale)
            plsc.store_scatter(table, [s], z16f, mask=stale)
            plsc.store_scatter(claim, [s], off + i16, mask=um)
            return 0

        lax.fori_loop(0, nv, pass_a, 0)

        def pass_b(t, _):
            off = s0 + t * 16
            m = i16 < (ln - t * 16)
            s = jnp.where(m, ss[pl.ds(off, 16)], z16i)
            v = jnp.where(m, sv[pl.ds(off, 16)], z16f)
            ks, vs, m2 = plsc.sort_key_val(s, v, mask=m)
            vs = jnp.where(m2, vs, z16f)
            csum = plsc.cumsum(vs)
            cnt2, last2 = plsc.scan_count(ks, mask=m2)
            um2 = last2 & m2
            aout[pl.ds(NB, 16)] = csum
            ip = i16 - cnt2
            prev = plsc.load_gather(aout, [jnp.maximum(ip, 0) + NB])
            prev = jnp.where(ip >= 0, prev, z16f)
            gsum = csum - prev
            plsc.addupdate_scatter(table, [jnp.where(m2, ks, 0)], gsum,
                                   mask=um2)
            return 0

        lax.fori_loop(0, nv, pass_b, 0)

        def pass_c(t, accs):
            amx, amn, act, asm = accs
            off = s0 + t * 16
            m = i16 < (ln - t * 16)
            s = jnp.where(m, ss[pl.ds(off, 16)], z16i)
            g = plsc.load_gather(table, [s], mask=m)
            cl = plsc.load_gather(claim, [s], mask=m)
            rep = (cl == (off + i16)) & m
            amx = jnp.where(rep, jnp.maximum(amx, g), amx)
            amn = jnp.where(rep, jnp.minimum(amn, g), amn)
            act = act + jnp.where(rep, jnp.ones((16,), jnp.float32), z16f)
            asm = asm + jnp.where(rep, g, z16f)
            return amx, amn, act, asm

        amx0 = jnp.full((16,), -jnp.inf, jnp.float32)
        amn0 = jnp.full((16,), jnp.inf, jnp.float32)
        amx, amn, act, asm = lax.fori_loop(
            0, nv, pass_c, (amx0, amn0, z16f, z16f))

        mx = jnp.full((16,), jnp.max(amx), jnp.float32)
        mn = jnp.full((16,), jnp.min(amn), jnp.float32)
        ct = jnp.full((16,), jnp.sum(act), jnp.float32)
        sm = jnp.full((16,), jnp.sum(asm), jnp.float32)
        empty = ct == 0.0
        mx = jnp.where(empty, 0.0, mx)
        mn = jnp.where(empty, 0.0, mn)
        mean = sm / jnp.maximum(ct, 1.0)
        aval = (w0 * ic(mx) + w1 * ic(mean) + w2 * ic(mn) + w3 * ic(sm)
                + ba2)
        plsc.store_scatter(aout, [jnp.full((16,), nr, jnp.int32)],
                           aval, mask=i16 == 0)
        return 0

    lax.fori_loop(0, NB, node_body, 0)
    pltpu.sync_copy(aout.at[pl.ds(0, NB)], a_out_hbm.at[pl.ds(base, NB)])


def _final_body(dst_hbm, e_hbm, a_hbm, wa_hbm, out_hbm,
                av, db, ebuf, ob, wav):
    i16 = lax.iota(jnp.int32, 16)
    wid = lax.axis_index("s") * 2 + lax.axis_index("c")
    ebase = wid * EPT
    pltpu.sync_copy(wa_hbm, wav)
    wa = wav[...]
    wl = _lane(wa, 5)
    bl = _lane(wa, 6)
    pltpu.sync_copy(a_hbm, av)

    def chunk(c, _):
        off = ebase + c * CH3
        pltpu.sync_copy(dst_hbm.at[pl.ds(off, CH3)], db)
        pltpu.sync_copy(e_hbm.at[pl.ds(off, CH3)], ebuf)

        def body(i, _):
            d = db[pl.ds(i * 16, 16)]
            ev = ebuf[pl.ds(i * 16, 16)]
            a = plsc.load_gather(av, [d])
            e2 = jnp.where(ev == jnp.inf, 1.0, ev)
            e2 = jnp.where(jnp.isnan(e2), 1.0, e2)
            o = (e2 * wl + bl) + a * e2
            o = jnp.where(o == jnp.inf, 1.0, o)
            ob[pl.ds(i * 16, 16)] = o
            return 0

        lax.fori_loop(0, CH3 // 16, body, 0)
        pltpu.sync_copy(ob, out_hbm.at[pl.ds(off, CH3)])
        return 0

    lax.fori_loop(0, EPT // CH3, chunk, 0)


def _sc_mesh():
    return plsc.VectorSubcoreMesh(core_axis_name="c", subcore_axis_name="s")


def kernel(x, adjs, edge_attr, W_e, b_e, W_a2, b_a2, W_l, b_l):
    del x
    e = _edge_scalar(edge_attr, W_e, b_e)
    wa = jnp.concatenate([
        W_a2[0], b_a2, W_l[0], b_l,
        jnp.zeros((9,), jnp.float32)]).astype(jnp.float32)

    ebits = lax.bitcast_convert_type(e, jnp.int32)
    packed = jnp.concatenate(
        [adjs[1].reshape(NCHUNK, CH), adjs[0].reshape(NCHUNK, CH),
         ebits.reshape(NCHUNK, CH)], axis=1).reshape(-1)

    graph = pl.kernel(
        _graph_body,
        out_type=jax.ShapeDtypeStruct((NPAD,), jnp.float32),
        mesh=_sc_mesh(),
        compiler_params=pltpu.CompilerParams(needs_layout_passes=False),
        scratch_types=[
            pltpu.VMEM((CAPP,), jnp.int32),
            pltpu.VMEM((CAPP,), jnp.int32),
            pltpu.VMEM((CAPP,), jnp.float32),
            pltpu.VMEM((CAPS,), jnp.int32),
            pltpu.VMEM((CAPS,), jnp.float32),
            pltpu.VMEM((HB,), jnp.float32),
            pltpu.VMEM((HB,), jnp.float32),
            pltpu.VMEM((HB,), jnp.float32),
            pltpu.VMEM((16,), jnp.float32),
            pltpu.VMEM((NB + 16,), jnp.float32),
            pltpu.SemaphoreType.DMA,
            pltpu.SemaphoreType.DMA,
        ],
    )
    A = graph(packed, wa)

    final = pl.kernel(
        _final_body,
        out_type=jax.ShapeDtypeStruct((E,), jnp.float32),
        mesh=_sc_mesh(),
        compiler_params=pltpu.CompilerParams(needs_layout_passes=False),
        scratch_types=[
            pltpu.VMEM((NPAD,), jnp.float32),
            pltpu.VMEM((CH3,), jnp.int32),
            pltpu.VMEM((CH3,), jnp.float32),
            pltpu.VMEM((CH3,), jnp.float32),
            pltpu.VMEM((16,), jnp.float32),
        ],
    )
    return final(adjs[1], e, A, wa)

# --- scband reference (transcript-rebuilt; emitter-appended) ---
"""Pipeline reference for scband-net-88871463289070 (READ-ONLY COPY).

The authoritative reference and input builder live on the scoring server;
editing this copy changes nothing except your own understanding.
"""

import jax, jax.numpy as jnp
import numpy as np

N_NODES = 10000
N_EDGES = 320000
D_FEAT = 128
D_EDGE = 16

def setup_inputs(seed: int = 0):
    key = jax.random.key(seed)
    ks = jax.random.split(key, 9)
    x = jax.random.normal(ks[0], (N_NODES, D_FEAT), dtype=jnp.float32)
    adjs = jax.random.randint(ks[1], (2, N_EDGES), 0, N_NODES, dtype=jnp.int32)
    edge_attr = jax.random.normal(ks[2], (N_EDGES, D_EDGE), dtype=jnp.float32)
    s_e = 1.0 / np.sqrt(D_EDGE)
    W_e = jax.random.uniform(ks[3], (1, D_EDGE), minval=-s_e, maxval=s_e, dtype=jnp.float32)
    b_e = jax.random.uniform(ks[4], (1,), minval=-s_e, maxval=s_e, dtype=jnp.float32)
    W_a2 = jax.random.uniform(ks[5], (1, 4), minval=-0.5, maxval=0.5, dtype=jnp.float32)
    b_a2 = jax.random.uniform(ks[6], (1,), minval=-0.5, maxval=0.5, dtype=jnp.float32)
    W_l = jax.random.uniform(ks[7], (1, 1), minval=-1.0, maxval=1.0, dtype=jnp.float32)
    b_l = jax.random.uniform(ks[8], (1,), minval=-1.0, maxval=1.0, dtype=jnp.float32)
    return {"x": x, "adjs": adjs, "edge_attr": edge_attr, "W_e": W_e, "b_e": b_e, "W_a2": W_a2, "b_a2": b_a2, "W_l": W_l, "b_l": b_l}

def _undirected_structure(adjs, num_nodes):
    # PyG to_undirected: concat reversed edges, coalesce duplicates with reduce='add'
    ei = jnp.concatenate([adjs, adjs[::-1]], axis=1)
    kkey = ei[0].astype(jnp.int32) * num_nodes + ei[1].astype(jnp.int32)
    n_max = kkey.shape[0]
    uniq, inv = jnp.unique(kkey, return_inverse=True, size=n_max, fill_value=-1)
    inv = inv.reshape(-1)
    dst_u = jnp.where(uniq < 0, num_nodes, uniq % num_nodes).astype(jnp.int32)
    return inv, dst_u, n_max

def _inv_clean(v):
    r = v ** (-1.0)
    r = jnp.where(jnp.isnan(r), 1.0, r)
    r = jnp.where(r == jnp.inf, 1.0, r)
    return r

def _net_forward(x, edge_attr, W_e, b_e, W_a2, b_a2, W_l, b_l, adjs, inv, dst_u, n_uniq, num_nodes):
    # layer 0: EdgeConv -> edge_attr = lin_e(edge_attr), [E, 1]
    e = edge_attr @ W_e.T + b_e
    # layer 1: EdgeConv2
    # to_undirected coalesce (reduce='add') on edge attrs
    ea2 = jnp.concatenate([e, e], axis=0)
    undi = jax.ops.segment_sum(ea2, inv, num_segments=n_uniq)
    cnt = jax.ops.segment_sum(jnp.ones((dst_u.shape[0],), jnp.float32), dst_u, num_segments=num_nodes + 1)[:num_nodes][:, None]
    nsum = jax.ops.segment_sum(undi, dst_u, num_segments=num_nodes + 1)[:num_nodes]
    nmax = jax.ops.segment_max(undi, dst_u, num_segments=num_nodes + 1)[:num_nodes]
    nmin = jax.ops.segment_min(undi, dst_u, num_segments=num_nodes + 1)[:num_nodes]
    nmax = jnp.where(cnt > 0, nmax, 0.0)  # torch_scatter fills empty segments with 0
    nmin = jnp.where(cnt > 0, nmin, 0.0)
    nmean = nsum / jnp.maximum(cnt, 1.0)
    # propagate with aggregate() returning x_i -> gather node aggregate at dst of each original edge
    dst_e = adjs[1]
    g_max = _inv_clean(jnp.take(nmax, dst_e, axis=0))
    g_mean = _inv_clean(jnp.take(nmean, dst_e, axis=0))
    g_min = _inv_clean(jnp.take(nmin, dst_e, axis=0))
    g_sum = _inv_clean(jnp.take(nsum, dst_e, axis=0))
    e2 = jnp.where(e == jnp.inf, 1.0, e)
    e2 = jnp.where(jnp.isnan(e2), 1.0, e2)
    nc = jnp.concatenate([g_max, g_mean, g_min, g_sum], axis=1)  # stack(...,1).view(-1,4)
    nc = nc @ W_a2.T + b_a2  # lin_aggr2
    out = (e2 @ W_l.T + b_l) + nc * e2
    out = jnp.where(out == jnp.inf, 1.0, out)
    return jnp.ravel(out)  # torch.flatten(x)

def reference(x, adjs, edge_attr, W_e, b_e, W_a2, b_a2, W_l, b_l):
    inv, dst_u, n_uniq = _undirected_structure(adjs, N_NODES)
    return _net_forward(x, edge_attr, W_e, b_e, W_a2, b_a2, W_l, b_l, adjs, inv, dst_u, n_uniq, N_NODES)

if __name__ == "__main__":
    import jax
    _d = setup_inputs()
    print(jax.jit(kernel)(*tuple(_d.values())))

</pallas_src>

<mosaic_0001>
#map = affine_map<(d0, d1) -> (0)>
module attributes {stable_mosaic.version = 14 : i64} {
  func.func @_graph_body(%arg0: i32, %arg1: i32, %arg2: memref<960000xi32, #tpu.memory_space<hbm>>, %arg3: memref<16xf32, #tpu.memory_space<hbm>>, %arg4: memref<10240xf32, #tpu.memory_space<hbm>>, %arg5: memref<21520xi32, #tpu.memory_space<vmem>>, %arg6: memref<21520xi32, #tpu.memory_space<vmem>>, %arg7: memref<21520xf32, #tpu.memory_space<vmem>>, %arg8: memref<21552xi32, #tpu.memory_space<vmem>>, %arg9: memref<21552xf32, #tpu.memory_space<vmem>>, %arg10: memref<336xf32, #tpu.memory_space<vmem>>, %arg11: memref<336xf32, #tpu.memory_space<vmem>>, %arg12: memref<336xf32, #tpu.memory_space<vmem>>, %arg13: memref<16xf32, #tpu.memory_space<vmem>>, %arg14: memref<336xf32, #tpu.memory_space<vmem>>, %arg15: memref<!tpu.dma_semaphore, #tpu.memory_space<semaphore_mem>>, %arg16: memref<!tpu.dma_semaphore, #tpu.memory_space<semaphore_mem>>) attributes {dimension_semantics = [#tpu.dimension_semantics<core_parallel>, #tpu.dimension_semantics<subcore_parallel>], iteration_bounds = array<i64: 2, 16>, scalar_prefetch = 0 : i64, scratch_operands = 12 : i64, tpu.core_type = #tpu.core_type<sc_vector_subcore>, window_params = [{transform_indices = #map}, {transform_indices = #map}, {transform_indices = #map}]} {
    %iota3A = tpu.iota {dimensions = array<i32: 0>} : vector<16xi32>
    %broadcast_in_dim3A = arith.constant 0.000000e+00 : f32
    %broadcast_in_dim3A_0 = vector.broadcast %broadcast_in_dim3A : f32 to vector<16xf32>
    %broadcast_in_dim3A_1 = arith.constant 0 : i32
    %broadcast_in_dim3A_2 = vector.broadcast %broadcast_in_dim3A_1 : i32 to vector<16xi32>
    %mul3A = arith.constant 2 : i32
    %mul3A_3 = arith.muli %arg1, %mul3A : i32
    %add3A = arith.addi %mul3A_3, %arg0 : i32
    %mul3A_4 = arith.constant 320 : i32
    %mul3A_5 = arith.muli %add3A, %mul3A_4 : i32
    "tpu.region"() ({
      %run_scoped3A = tpu.sem_alloc : memref<!tpu.dma_semaphore, #tpu.memory_space<semaphore_mem>>
      tpu.enqueue_dma source(%arg3 : memref<16xf32, #tpu.memory_space<hbm>>) target(%arg13 : memref<16xf32, #tpu.memory_space<vmem>>) target_semaphore(%run_scoped3A : memref<!tpu.dma_semaphore, #tpu.memory_space<semaphore_mem>>)
      tpu.wait_dma2 semaphore(%run_scoped3A : memref<!tpu.dma_semaphore, #tpu.memory_space<semaphore_mem>>) src(%arg3 : memref<16xf32, #tpu.memory_space<hbm>>) dst(%arg13 : memref<16xf32, #tpu.memory_space<vmem>>)
      tpu.yield
    }) : () -> ()
    %get3A = arith.constant 0 : index
    %get3A_6 = tpu.vector_load %arg13[%get3A] {strides = array<i32>} : memref<16xf32, #tpu.memory_space<vmem>>, vector<16xf32>,
    %dma_start3A = arith.constant 0 : i32
    %dma_start3A_7 = tpu.memref_slice %arg8[%dma_start3A] : memref<21552xi32, #tpu.memory_space<vmem>> -> memref<9600xi32, #tpu.memory_space<vmem>>
    %dma_start3A_8 = arith.constant 0 : i32
    %dma_start3A_9 = tpu.memref_slice %arg2[%dma_start3A_8] : memref<960000xi32, #tpu.memory_space<hbm>> -> memref<9600xi32, #tpu.memory_space<hbm>>
    %dma_start3A_10 = arith.constant 0 : i32
    %dma_start3A_11 = tpu.memref_slice %arg8[%dma_start3A_10] : memref<21552xi32, #tpu.memory_space<vmem>> -> memref<9600xi32, #tpu.memory_space<vmem>>
    %dma_start3A_12 = arith.constant 0 : i32
    %dma_start3A_13 = tpu.memref_slice %arg2[%dma_start3A_12] : memref<960000xi32, #tpu.memory_space<hbm>> -> memref<9600xi32, #tpu.memory_space<hbm>>
    tpu.enqueue_dma source(%dma_start3A_13 : memref<9600xi32, #tpu.memory_space<hbm>>) target(%dma_start3A_11 : memref<9600xi32, #tpu.memory_space<vmem>>) target_semaphore(%arg15 : memref<!tpu.dma_semaphore, #tpu.memory_space<semaphore_mem>>)
    %scan3A = arith.constant 0 : i32
    %scan3A_14 = arith.constant 0 : i32
    %scan3A_15 = arith.constant 50 : i32
    %scan3A_16 = arith.addi %scan3A_14, %scan3A_15 : i32
    %scan3A_17 = arith.constant 1 : i32
    %scan3A_18 = scf.for %scan3A_150 = %scan3A_14 to %scan3A_16 step %scan3A_17 iter_args(%scan3A_151 = %scan3A) -> (i32)  : i32 {
      %mul3A_152 = arith.constant 2 : i32
      %mul3A_153 = arith.muli %scan3A_150, %mul3A_152 : i32
      %add3A_154 = arith.constant 1 : i32
      %add3A_155 = arith.addi %mul3A_153, %add3A_154 : i32
      %mul3A_156 = arith.constant 9600 : i32
      %mul3A_157 = arith.muli %add3A_155, %mul3A_156 : i32
      %dma_start3A_158 = arith.constant 9600 : i32
      %dma_start3A_159 = tpu.memref_slice %arg8[%dma_start3A_158] : memref<21552xi32, #tpu.memory_space<vmem>> -> memref<9600xi32, #tpu.memory_space<vmem>>
      %dma_start3A_160 = tpu.memref_slice %arg2[%mul3A_157] : memref<960000xi32, #tpu.memory_space<hbm>> -> memref<9600xi32, #tpu.memory_space<hbm>>
      %dma_start3A_161 = arith.constant 9600 : i32
      %dma_start3A_162 = tpu.memref_slice %arg8[%dma_start3A_161] : memref<21552xi32, #tpu.memory_space<vmem>> -> memref<9600xi32, #tpu.memory_space<vmem>>
      %dma_start3A_163 = tpu.memref_slice %arg2[%mul3A_157] : memref<960000xi32, #tpu.memory_space<hbm>> -> memref<9600xi32, #tpu.memory_space<hbm>>
      tpu.enqueue_dma source(%dma_start3A_163 : memref<9600xi32, #tpu.memory_space<hbm>>) target(%dma_start3A_162 : memref<9600xi32, #tpu.memory_space<vmem>>) target_semaphore(%arg16 : memref<!tpu.dma_semaphore, #tpu.memory_space<semaphore_mem>>)
      %dma_wait3A = arith.constant 0 : i32
      %dma_wait3A_164 = tpu.memref_slice %arg8[%dma_wait3A] : memref<21552xi32, #tpu.memory_space<vmem>> -> memref<9600xi32, #tpu.memory_space<vmem>>
      %dma_wait3A_165 = arith.constant 0 : i32
      %dma_wait3A_166 = tpu.memref_slice %arg2[%dma_wait3A_165] : memref<960000xi32, #tpu.memory_space<hbm>> -> memref<9600xi32, #tpu.memory_space<hbm>>
      %dma_wait3A_167 = arith.constant 0 : i32
      %dma_wait3A_168 = tpu.memref_slice %arg8[%dma_wait3A_167] : memref<21552xi32, #tpu.memory_space<vmem>> -> memref<9600xi32, #tpu.memory_space<vmem>>
      %dma_wait3A_169 = arith.constant 0 : i32
      %dma_wait3A_170 = tpu.memref_slice %arg2[%dma_wait3A_169] : memref<960000xi32, #tpu.memory_space<hbm>> -> memref<9600xi32, #tpu.memory_space<hbm>>
      tpu.wait_dma2 semaphore(%arg15 : memref<!tpu.dma_semaphore, #tpu.memory_space<semaphore_mem>>) src(%dma_wait3A_170 : memref<9600xi32, #tpu.memory_space<hbm>>) dst(%dma_wait3A_168 : memref<9600xi32, #tpu.memory_space<vmem>>)
      %scan3A_171 = arith.constant 0 : i32
      %scan3A_172 = arith.constant 100 : i32
      %scan3A_173 = arith.addi %scan3A_171, %scan3A_172 : i32
      %scan3A_174 = arith.constant 1 : i32
      %scan3A_175 = scf.for %scan3A_195 = %scan3A_171 to %scan3A_173 step %scan3A_174 iter_args(%scan3A_196 = %scan3A_151) -> (i32)  : i32 {
        %mul3A_197 = arith.constant 32 : i32
        %mul3A_198 = arith.muli %scan3A_195, %mul3A_197 : i32
        %add3A_199 = arith.constant 0 : i32
        %add3A_200 = arith.addi %add3A_199, %mul3A_198 : i32
        %get3A_201 = arith.index_cast %add3A_200 : i32 to index
        %get3A_202 = tpu.vector_load %arg8[%get3A_201] {strides = array<i32>} : memref<21552xi32, #tpu.memory_space<vmem>>, vector<16xi32>,
        %add3A_203 = arith.constant 3200 : i32
        %add3A_204 = arith.addi %add3A_200, %add3A_203 : i32
        %get3A_205 = arith.index_cast %add3A_204 : i32 to index
        %get3A_206 = tpu.vector_load %arg8[%get3A_205] {strides = array<i32>} : memref<21552xi32, #tpu.memory_space<vmem>>, vector<16xi32>,
        %add3A_207 = arith.constant 6400 : i32
        %add3A_208 = arith.addi %add3A_200, %add3A_207 : i32
        %get3A_209 = arith.index_cast %add3A_208 : i32 to index
        %get3A_210 = tpu.vector_load %arg8[%get3A_209] {strides = array<i32>} : memref<21552xi32, #tpu.memory_space<vmem>>, vector<16xi32>,
        %bitcast3A = vector.bitcast %get3A_210 : vector<16xi32> to vector<16xf32>
        %sub3A_211 = vector.broadcast %mul3A_5 : i32 to vector<16xi32>
        %sub3A_212 = arith.subi %get3A_202, %sub3A_211 : vector<16xi32>
        %bitcast3A_213 = vector.bitcast %sub3A_212 : vector<16xi32> to vector<16xi32>
        %lt3A_214 = arith.constant 320 : i32
        %lt3A_215 = vector.broadcast %lt3A_214 : i32 to vector<16xi32>
        %lt3A_216 = arith.cmpi ult, %bitcast3A_213, %lt3A_215 : vector<16xi32>
        %broadcast_in_dim3A_217 = arith.constant 1.000000e+00 : f32
        %broadcast_in_dim3A_218 = vector.broadcast %broadcast_in_dim3A_217 : f32 to vector<16xf32>
        %select_n3A_219 = arith.select %lt3A_216, %broadcast_in_dim3A_218, %broadcast_in_dim3A_0 : vector<16xi1>, vector<16xf32>
        %reduce_sum3A_220 = arith.constant true
        %reduce_sum3A_221 = vector.broadcast %reduce_sum3A_220 : i1 to vector<16xi1>
        %reduce_sum3A_222 = tpu.scan <sum>, %select_n3A_219 masked %reduce_sum3A_221 : vector<16xf32>, vector<16xi1> -> vector<16xf32>
        %reduce_sum3A_223 = vector.extract %reduce_sum3A_222[15] : f32 from vector<16xf32>
        %convert_element_type3A_224 = arith.fptosi %reduce_sum3A_223 : f32 to i32
        %min3A_225 = arith.constant 21504 : i32
        %min3A_226 = arith.minsi %scan3A_196, %min3A_225 : i32
        %swap3A_227 = arith.index_cast %min3A_226 : i32 to index
        %swap3A_228 = tpu.vector_load %arg5[%swap3A_227] masked %lt3A_216 {strides = array<i32>} : memref<21520xi32, #tpu.memory_space<vmem>>, vector<16xi32>, vector<16xi1>
        tpu.vector_store %arg5[%swap3A_227], %sub3A_212 masked %lt3A_216 {strides = array<i32>} : memref<21520xi32, #tpu.memory_space<vmem>>, vector<16xi32>, vector<16xi1>
        %swap3A_229 = arith.index_cast %min3A_226 : i32 to index
        %swap3A_230 = tpu.vector_load %arg6[%swap3A_229] masked %lt3A_216 {strides = array<i32>} : memref<21520xi32, #tpu.memory_space<vmem>>, vector<16xi32>, vector<16xi1>
        tpu.vector_store %arg6[%swap3A_229], %get3A_206 masked %lt3A_216 {strides = array<i32>} : memref<21520xi32, #tpu.memory_space<vmem>>, vector<16xi32>, vector<16xi1>
        %swap3A_231 = arith.index_cast %min3A_226 : i32 to index
        %swap3A_232 = tpu.vector_load %arg7[%swap3A_231] masked %lt3A_216 {strides = array<i32>} : memref<21520xf32, #tpu.memory_space<vmem>>, vector<16xf32>, vector<16xi1>
        tpu.vector_store %arg7[%swap3A_231], %bitcast3A masked %lt3A_216 {strides = array<i32>} : memref<21520xf32, #tpu.memory_space<vmem>>, vector<16xf32>, vector<16xi1>
        %add3A_233 = arith.addi %scan3A_196, %convert_element_type3A_224 : i32
        %sub3A_234 = vector.broadcast %mul3A_5 : i32 to vector<16xi32>
        %sub3A_235 = arith.subi %get3A_206, %sub3A_234 : vector<16xi32>
        %bitcast3A_236 = vector.bitcast %sub3A_235 : vector<16xi32> to vector<16xi32>
        %lt3A_237 = arith.constant 320 : i32
        %lt3A_238 = vector.broadcast %lt3A_237 : i32 to vector<16xi32>
        %lt3A_239 = arith.cmpi ult, %bitcast3A_236, %lt3A_238 : vector<16xi32>
        %broadcast_in_dim3A_240 = arith.constant 1.000000e+00 : f32
        %broadcast_in_dim3A_241 = vector.broadcast %broadcast_in_dim3A_240 : f32 to vector<16xf32>
        %select_n3A_242 = arith.select %lt3A_239, %broadcast_in_dim3A_241, %broadcast_in_dim3A_0 : vector<16xi1>, vector<16xf32>
        %reduce_sum3A_243 = arith.constant true
        %reduce_sum3A_244 = vector.broadcast %reduce_sum3A_243 : i1 to vector<16xi1>
        %reduce_sum3A_245 = tpu.scan <sum>, %select_n3A_242 masked %reduce_sum3A_244 : vector<16xf32>, vector<16xi1> -> vector<16xf32>
        %reduce_sum3A_246 = vector.extract %reduce_sum3A_245[15] : f32 from vector<16xf32>
        %convert_element_type3A_247 = arith.fptosi %reduce_sum3A_246 : f32 to i32
        %min3A_248 = arith.constant 21504 : i32
        %min3A_249 = arith.minsi %add3A_233, %min3A_248 : i32
        %swap3A_250 = arith.index_cast %min3A_249 : i32 to index
        %swap3A_251 = tpu.vector_load %arg5[%swap3A_250] masked %lt3A_239 {strides = array<i32>} : memref<21520xi32, #tpu.memory_space<vmem>>, vector<16xi32>, vector<16xi1>
        tpu.vector_store %arg5[%swap3A_250], %sub3A_235 masked %lt3A_239 {strides = array<i32>} : memref<21520xi32, #tpu.memory_space<vmem>>, vector<16xi32>, vector<16xi1>
        %swap3A_252 = arith.index_cast %min3A_249 : i32 to index
        %swap3A_253 = tpu.vector_load %arg6[%swap3A_252] masked %lt3A_239 {strides = array<i32>} : memref<21520xi32, #tpu.memory_space<vmem>>, vector<16xi32>, vector<16xi1>
        tpu.vector_store %arg6[%swap3A_252], %get3A_202 masked %lt3A_239 {strides = array<i32>} : memref<21520xi32, #tpu.memory_space<vmem>>, vector<16xi32>, vector<16xi1>
        %swap3A_254 = arith.index_cast %min3A_249 : i32 to index
        %swap3A_255 = tpu.vector_load %arg7[%swap3A_254] masked %lt3A_239 {strides = array<i32>} : memref<21520xf32, #tpu.memory_space<vmem>>, vector<16xf32>, vector<16xi1>
        tpu.vector_store %arg7[%swap3A_254], %bitcast3A masked %lt3A_239 {strides = array<i32>} : memref<21520xf32, #tpu.memory_space<vmem>>, vector<16xf32>, vector<16xi1>
        %add3A_256 = arith.addi %add3A_233, %convert_element_type3A_247 : i32
        %add3A_257 = arith.constant 16 : i32
        %add3A_258 = arith.addi %add3A_200, %add3A_257 : i32
        %get3A_259 = arith.index_cast %add3A_258 : i32 to index
        %get3A_260 = tpu.vector_load %arg8[%get3A_259] {strides = array<i32>} : memref<21552xi32, #tpu.memory_space<vmem>>, vector<16xi32>,
        %add3A_261 = arith.constant 3200 : i32
        %add3A_262 = arith.addi %add3A_258, %add3A_261 : i32
        %get3A_263 = arith.index_cast %add3A_262 : i32 to index
        %get3A_264 = tpu.vector_load %arg8[%get3A_263] {strides = array<i32>} : memref<21552xi32, #tpu.memory_space<vmem>>, vector<16xi32>,
        %add3A_265 = arith.constant 6400 : i32
        %add3A_266 = arith.addi %add3A_258, %add3A_265 : i32
        %get3A_267 = arith.index_cast %add3A_266 : i32 to index
        %get3A_268 = tpu.vector_load %arg8[%get3A_267] {strides = array<i32>} : memref<21552xi32, #tpu.memory_space<vmem>>, vector<16xi32>,
        %bitcast3A_269 = vector.bitcast %get3A_268 : vector<16xi32> to vector<16xf32>
        %sub3A_270 = vector.broadcast %mul3A_5 : i32 to vector<16xi32>
        %sub3A_271 = arith.subi %get3A_260, %sub3A_270 : vector<16xi32>
        %bitcast3A_272 = vector.bitcast %sub3A_271 : vector<16xi32> to vector<16xi32>
        %lt3A_273 = arith.constant 320 : i32
        %lt3A_274 = vector.broadcast %lt3A_273 : i32 to vector<16xi32>
        %lt3A_275 = arith.cmpi ult, %bitcast3A_272, %lt3A_274 : vector<16xi32>
        %broadcast_in_dim3A_276 = arith.constant 1.000000e+00 : f32
        %broadcast_in_dim3A_277 = vector.broadcast %broadcast_in_dim3A_276 : f32 to vector<16xf32>
        %select_n3A_278 = arith.select %lt3A_275, %broadcast_in_dim3A_277, %broadcast_in_dim3A_0 : vector<16xi1>, vector<16xf32>
        %reduce_sum3A_279 = arith.constant true
        %reduce_sum3A_280 = vector.broadcast %reduce_sum3A_279 : i1 to vector<16xi1>
        %reduce_sum3A_281 = tpu.scan <sum>, %select_n3A_278 masked %reduce_sum3A_280 : vector<16xf32>, vector<16xi1> -> vector<16xf32>
        %reduce_sum3A_282 = vector.extract %reduce_sum3A_281[15] : f32 from vector<16xf32>
        %convert_element_type3A_283 = arith.fptosi %reduce_sum3A_282 : f32 to i32
        %min3A_284 = arith.constant 21504 : i32
        %min3A_285 = arith.minsi %add3A_256, %min3A_284 : i32
        %swap3A_286 = arith.index_cast %min3A_285 : i32 to index
        %swap3A_287 = tpu.vector_load %arg5[%swap3A_286] masked %lt3A_275 {strides = array<i32>} : memref<21520xi32, #tpu.memory_space<vmem>>, vector<16xi32>, vector<16xi1>
        tpu.vector_store %arg5[%swap3A_286], %sub3A_271 masked %lt3A_275 {strides = array<i32>} : memref<21520xi32, #tpu.memory_space<vmem>>, vector<16xi32>, vector<16xi1>
        %swap3A_288 = arith.index_cast %min3A_285 : i32 to index
        %swap3A_289 = tpu.vector_load %arg6[%swap3A_288] masked %lt3A_275 {strides = array<i32>} : memref<21520xi32, #tpu.memory_space<vmem>>, vector<16xi32>, vector<16xi1>
        tpu.vector_store %arg6[%swap3A_288], %get3A_264 masked %lt3A_275 {strides = array<i32>} : memref<21520xi32, #tpu.memory_space<vmem>>, vector<16xi32>, vector<16xi1>
        %swap3A_290 = arith.index_cast %min3A_285 : i32 to index
        %swap3A_291 = tpu.vector_load %arg7[%swap3A_290] masked %lt3A_275 {strides = array<i32>} : memref<21520xf32, #tpu.memory_space<vmem>>, vector<16xf32>, vector<16xi1>
        tpu.vector_store %arg7[%swap3A_290], %bitcast3A_269 masked %lt3A_275 {strides = array<i32>} : memref<21520xf32, #tpu.memory_space<vmem>>, vector<16xf32>, vector<16xi1>
        %add3A_292 = arith.addi %add3A_256, %convert_element_type3A_283 : i32
        %sub3A_293 = vector.broadcast %mul3A_5 : i32 to vector<16xi32>
        %sub3A_294 = arith.subi %get3A_264, %sub3A_293 : vector<16xi32>
        %bitcast3A_295 = vector.bitcast %sub3A_294 : vector<16xi32> to vector<16xi32>
        %lt3A_296 = arith.constant 320 : i32
        %lt3A_297 = vector.broadcast %lt3A_296 : i32 to vector<16xi32>
        %lt3A_298 = arith.cmpi ult, %bitcast3A_295, %lt3A_297 : vector<16xi32>
        %broadcast_in_dim3A_299 = arith.constant 1.000000e+00 : f32
        %broadcast_in_dim3A_300 = vector.broadcast %broadcast_in_dim3A_299 : f32 to vector<16xf32>
        %select_n3A_301 = arith.select %lt3A_298, %broadcast_in_dim3A_300, %broadcast_in_dim3A_0 : vector<16xi1>, vector<16xf32>
        %reduce_sum3A_302 = arith.constant true
        %reduce_sum3A_303 = vector.broadcast %reduce_sum3A_302 : i1 to vector<16xi1>
        %reduce_sum3A_304 = tpu.scan <sum>, %select_n3A_301 masked %reduce_sum3A_303 : vector<16xf32>, vector<16xi1> -> vector<16xf32>
        %reduce_sum3A_305 = vector.extract %reduce_sum3A_304[15] : f32 from vector<16xf32>
        %convert_element_type3A_306 = arith.fptosi %reduce_sum3A_305 : f32 to i32
        %min3A_307 = arith.constant 21504 : i32
        %min3A_308 = arith.minsi %add3A_292, %min3A_307 : i32
        %swap3A_309 = arith.index_cast %min3A_308 : i32 to index
        %swap3A_310 = tpu.vector_load %arg5[%swap3A_309] masked %lt3A_298 {strides = array<i32>} : memref<21520xi32, #tpu.memory_space<vmem>>, vector<16xi32>, vector<16xi1>
        tpu.vector_store %arg5[%swap3A_309], %sub3A_294 masked %lt3A_298 {strides = array<i32>} : memref<21520xi32, #tpu.memory_space<vmem>>, vector<16xi32>, vector<16xi1>
        %swap3A_311 = arith.index_cast %min3A_308 : i32 to index
        %swap3A_312 = tpu.vector_load %arg6[%swap3A_311] masked %lt3A_298 {strides = array<i32>} : memref<21520xi32, #tpu.memory_space<vmem>>, vector<16xi32>, vector<16xi1>
        tpu.vector_store %arg6[%swap3A_311], %get3A_260 masked %lt3A_298 {strides = array<i32>} : memref<21520xi32, #tpu.memory_space<vmem>>, vector<16xi32>, vector<16xi1>
        %swap3A_313 = arith.index_cast %min3A_308 : i32 to index
        %swap3A_314 = tpu.vector_load %arg7[%swap3A_313] masked %lt3A_298 {strides = array<i32>} : memref<21520xf32, #tpu.memory_space<vmem>>, vector<16xf32>, vector<16xi1>
        tpu.vector_store %arg7[%swap3A_313], %bitcast3A_269 masked %lt3A_298 {strides = array<i32>} : memref<21520xf32, #tpu.memory_space<vmem>>, vector<16xf32>, vector<16xi1>
        %add3A_315 = arith.addi %add3A_292, %convert_element_type3A_306 : i32
        scf.yield %add3A_315 : i32
      }
      %scan3A_176 = arith.constant 100 : i32
      %add3A_177 = arith.constant 1 : i32
      %add3A_178 = arith.addi %scan3A_150, %add3A_177 : i32
      %lt3A = arith.constant 50 : i32
      %lt3A_179 = arith.cmpi slt, %add3A_178, %lt3A : i32
      %convert_element_type3A = arith.extui %lt3A_179 : i1 to i32
      %cond3A = arith.constant 0 : i32
      %cond3A_180 = arith.cmpi ne, %convert_element_type3A, %cond3A : i32
      scf.if %cond3A_180 {
        %add3A_195 = arith.constant 2 : i32
        %add3A_196 = arith.addi %mul3A_153, %add3A_195 : i32
        %mul3A_197 = arith.constant 9600 : i32
        %mul3A_198 = arith.muli %add3A_196, %mul3A_197 : i32
        %dma_start3A_199 = arith.constant 0 : i32
        %dma_start3A_200 = tpu.memref_slice %arg8[%dma_start3A_199] : memref<21552xi32, #tpu.memory_space<vmem>> -> memref<9600xi32, #tpu.memory_space<vmem>>
        %dma_start3A_201 = tpu.memref_slice %arg2[%mul3A_198] : memref<960000xi32, #tpu.memory_space<hbm>> -> memref<9600xi32, #tpu.memory_space<hbm>>
        %dma_start3A_202 = arith.constant 0 : i32
        %dma_start3A_203 = tpu.memref_slice %arg8[%dma_start3A_202] : memref<21552xi32, #tpu.memory_space<vmem>> -> memref<9600xi32, #tpu.memory_space<vmem>>
        %dma_start3A_204 = tpu.memref_slice %arg2[%mul3A_198] : memref<960000xi32, #tpu.memory_space<hbm>> -> memref<9600xi32, #tpu.memory_space<hbm>>
        tpu.enqueue_dma source(%dma_start3A_204 : memref<9600xi32, #tpu.memory_space<hbm>>) target(%dma_start3A_203 : memref<9600xi32, #tpu.memory_space<vmem>>) target_semaphore(%arg15 : memref<!tpu.dma_semaphore, #tpu.memory_space<semaphore_mem>>)
      } else {
      }
      %dma_wait3A_181 = arith.constant 9600 : i32
      %dma_wait3A_182 = tpu.memref_slice %arg8[%dma_wait3A_181] : memref<21552xi32, #tpu.memory_space<vmem>> -> memref<9600xi32, #tpu.memory_space<vmem>>
      %dma_wait3A_183 = arith.constant 0 : i32
      %dma_wait3A_184 = tpu.memref_slice %arg2[%dma_wait3A_183] : memref<960000xi32, #tpu.memory_space<hbm>> -> memref<9600xi32, #tpu.memory_space<hbm>>
      %dma_wait3A_185 = arith.constant 9600 : i32
      %dma_wait3A_186 = tpu.memref_slice %arg8[%dma_wait3A_185] : memref<21552xi32, #tpu.memory_space<vmem>> -> memref<9600xi32, #tpu.memory_space<vmem>>
      %dma_wait3A_187 = arith.constant 0 : i32
      %dma_wait3A_188 = tpu.memref_slice %arg2[%dma_wait3A_187] : memref<960000xi32, #tpu.memory_space<hbm>> -> memref<9600xi32, #tpu.memory_space<hbm>>
      tpu.wait_dma2 semaphore(%arg16 : memref<!tpu.dma_semaphore, #tpu.memory_space<semaphore_mem>>) src(%dma_wait3A_188 : memref<9600xi32, #tpu.memory_space<hbm>>) dst(%dma_wait3A_186 : memref<9600xi32, #tpu.memory_space<vmem>>)
      %scan3A_189 = arith.constant 0 : i32
      %scan3A_190 = arith.constant 100 : i32
      %scan3A_191 = arith.addi %scan3A_189, %scan3A_190 : i32
      %scan3A_192 = arith.constant 1 : i32
      %scan3A_193 = scf.for %scan3A_195 = %scan3A_189 to %scan3A_191 step %scan3A_192 iter_args(%scan3A_196 = %scan3A_175) -> (i32)  : i32 {
        %mul3A_197 = arith.constant 32 : i32
        %mul3A_198 = arith.muli %scan3A_195, %mul3A_197 : i32
        %add3A_199 = arith.constant 9600 : i32
        %add3A_200 = arith.addi %add3A_199, %mul3A_198 : i32
        %get3A_201 = arith.index_cast %add3A_200 : i32 to index
        %get3A_202 = tpu.vector_load %arg8[%get3A_201] {strides = array<i32>} : memref<21552xi32, #tpu.memory_space<vmem>>, vector<16xi32>,
        %add3A_203 = arith.constant 3200 : i32
        %add3A_204 = arith.addi %add3A_200, %add3A_203 : i32
        %get3A_205 = arith.index_cast %add3A_204 : i32 to index
        %get3A_206 = tpu.vector_load %arg8[%get3A_205] {strides = array<i32>} : memref<21552xi32, #tpu.memory_space<vmem>>, vector<16xi32>,
        %add3A_207 = arith.constant 6400 : i32
        %add3A_208 = arith.addi %add3A_200, %add3A_207 : i32
        %get3A_209 = arith.index_cast %add3A_208 : i32 to index
        %get3A_210 = tpu.vector_load %arg8[%get3A_209] {strides = array<i32>} : memref<21552xi32, #tpu.memory_space<vmem>>, vector<16xi32>,
        %bitcast3A = vector.bitcast %get3A_210 : vector<16xi32> to vector<16xf32>
        %sub3A_211 = vector.broadcast %mul3A_5 : i32 to vector<16xi32>
        %sub3A_212 = arith.subi %get3A_202, %sub3A_211 : vector<16xi32>
        %bitcast3A_213 = vector.bitcast %sub3A_212 : vector<16xi32> to vector<16xi32>
        %lt3A_214 = arith.constant 320 : i32
        %lt3A_215 = vector.broadcast %lt3A_214 : i32 to vector<16xi32>
        %lt3A_216 = arith.cmpi ult, %bitcast3A_213, %lt3A_215 : vector<16xi32>
        %broadcast_in_dim3A_217 = arith.constant 1.000000e+00 : f32
        %broadcast_in_dim3A_218 = vector.broadcast %broadcast_in_dim3A_217 : f32 to vector<16xf32>
        %select_n3A_219 = arith.select %lt3A_216, %broadcast_in_dim3A_218, %broadcast_in_dim3A_0 : vector<16xi1>, vector<16xf32>
        %reduce_sum3A_220 = arith.constant true
        %reduce_sum3A_221 = vector.broadcast %reduce_sum3A_220 : i1 to vector<16xi1>
        %reduce_sum3A_222 = tpu.scan <sum>, %select_n3A_219 masked %reduce_sum3A_221 : vector<16xf32>, vector<16xi1> -> vector<16xf32>
        %reduce_sum3A_223 = vector.extract %reduce_sum3A_222[15] : f32 from vector<16xf32>
        %convert_element_type3A_224 = arith.fptosi %reduce_sum3A_223 : f32 to i32
        %min3A_225 = arith.constant 21504 : i32
        %min3A_226 = arith.minsi %scan3A_196, %min3A_225 : i32
        %swap3A_227 = arith.index_cast %min3A_226 : i32 to index
        %swap3A_228 = tpu.vector_load %arg5[%swap3A_227] masked %lt3A_216 {strides = array<i32>} : memref<21520xi32, #tpu.memory_space<vmem>>, vector<16xi32>, vector<16xi1>
        tpu.vector_store %arg5[%swap3A_227], %sub3A_212 masked %lt3A_216 {strides = array<i32>} : memref<21520xi32, #tpu.memory_space<vmem>>, vector<16xi32>, vector<16xi1>
        %swap3A_229 = arith.index_cast %min3A_226 : i32 to index
        %swap3A_230 = tpu.vector_load %arg6[%swap3A_229] masked %lt3A_216 {strides = array<i32>} : memref<21520xi32, #tpu.memory_space<vmem>>, vector<16xi32>, vector<16xi1>
        tpu.vector_store %arg6[%swap3A_229], %get3A_206 masked %lt3A_216 {strides = array<i32>} : memref<21520xi32, #tpu.memory_space<vmem>>, vector<16xi32>, vector<16xi1>
        %swap3A_231 = arith.index_cast %min3A_226 : i32 to index
        %swap3A_232 = tpu.vector_load %arg7[%swap3A_231] masked %lt3A_216 {strides = array<i32>} : memref<21520xf32, #tpu.memory_space<vmem>>, vector<16xf32>, vector<16xi1>
        tpu.vector_store %arg7[%swap3A_231], %bitcast3A masked %lt3A_216 {strides = array<i32>} : memref<21520xf32, #tpu.memory_space<vmem>>, vector<16xf32>, vector<16xi1>
        %add3A_233 = arith.addi %scan3A_196, %convert_element_type3A_224 : i32
        %sub3A_234 = vector.broadcast %mul3A_5 : i32 to vector<16xi32>
        %sub3A_235 = arith.subi %get3A_206, %sub3A_234 : vector<16xi32>
        %bitcast3A_236 = vector.bitcast %sub3A_235 : vector<16xi32> to vector<16xi32>
        %lt3A_237 = arith.constant 320 : i32
        %lt3A_238 = vector.broadcast %lt3A_237 : i32 to vector<16xi32>
        %lt3A_239 = arith.cmpi ult, %bitcast3A_236, %lt3A_238 : vector<16xi32>
        %broadcast_in_dim3A_240 = arith.constant 1.000000e+00 : f32
        %broadcast_in_dim3A_241 = vector.broadcast %broadcast_in_dim3A_240 : f32 to vector<16xf32>
        %select_n3A_242 = arith.select %lt3A_239, %broadcast_in_dim3A_241, %broadcast_in_dim3A_0 : vector<16xi1>, vector<16xf32>
        %reduce_sum3A_243 = arith.constant true
        %reduce_sum3A_244 = vector.broadcast %reduce_sum3A_243 : i1 to vector<16xi1>
        %reduce_sum3A_245 = tpu.scan <sum>, %select_n3A_242 masked %reduce_sum3A_244 : vector<16xf32>, vector<16xi1> -> vector<16xf32>
        %reduce_sum3A_246 = vector.extract %reduce_sum3A_245[15] : f32 from vector<16xf32>
        %convert_element_type3A_247 = arith.fptosi %reduce_sum3A_246 : f32 to i32
        %min3A_248 = arith.constant 21504 : i32
        %min3A_249 = arith.minsi %add3A_233, %min3A_248 : i32
        %swap3A_250 = arith.index_cast %min3A_249 : i32 to index
        %swap3A_251 = tpu.vector_load %arg5[%swap3A_250] masked %lt3A_239 {strides = array<i32>} : memref<21520xi32, #tpu.memory_space<vmem>>, vector<16xi32>, vector<16xi1>
        tpu.vector_store %arg5[%swap3A_250], %sub3A_235 masked %lt3A_239 {strides = array<i32>} : memref<21520xi32, #tpu.memory_space<vmem>>, vector<16xi32>, vector<16xi1>
        %swap3A_252 = arith.index_cast %min3A_249 : i32 to index
        %swap3A_253 = tpu.vector_load %arg6[%swap3A_252] masked %lt3A_239 {strides = array<i32>} : memref<21520xi32, #tpu.memory_space<vmem>>, vector<16xi32>, vector<16xi1>
        tpu.vector_store %arg6[%swap3A_252], %get3A_202 masked %lt3A_239 {strides = array<i32>} : memref<21520xi32, #tpu.memory_space<vmem>>, vector<16xi32>, vector<16xi1>
        %swap3A_254 = arith.index_cast %min3A_249 : i32 to index
        %swap3A_255 = tpu.vector_load %arg7[%swap3A_254] masked %lt3A_239 {strides = array<i32>} : memref<21520xf32, #tpu.memory_space<vmem>>, vector<16xf32>, vector<16xi1>
        tpu.vector_store %arg7[%swap3A_254], %bitcast3A masked %lt3A_239 {strides = array<i32>} : memref<21520xf32, #tpu.memory_space<vmem>>, vector<16xf32>, vector<16xi1>
        %add3A_256 = arith.addi %add3A_233, %convert_element_type3A_247 : i32
        %add3A_257 = arith.constant 16 : i32
        %add3A_258 = arith.addi %add3A_200, %add3A_257 : i32
        %get3A_259 = arith.index_cast %add3A_258 : i32 to index
        %get3A_260 = tpu.vector_load %arg8[%get3A_259] {strides = array<i32>} : memref<21552xi32, #tpu.memory_space<vmem>>, vector<16xi32>,
        %add3A_261 = arith.constant 3200 : i32
        %add3A_262 = arith.addi %add3A_258, %add3A_261 : i32
        %get3A_263 = arith.index_cast %add3A_262 : i32 to index
        %get3A_264 = tpu.vector_load %arg8[%get3A_263] {strides = array<i32>} : memref<21552xi32, #tpu.memory_space<vmem>>, vector<16xi32>,
        %add3A_265 = arith.constant 6400 : i32
        %add3A_266 = arith.addi %add3A_258, %add3A_265 : i32
        %get3A_267 = arith.index_cast %add3A_266 : i32 to index
        %get3A_268 = tpu.vector_load %arg8[%get3A_267] {strides = array<i32>} : memref<21552xi32, #tpu.memory_space<vmem>>, vector<16xi32>,
        %bitcast3A_269 = vector.bitcast %get3A_268 : vector<16xi32> to vector<16xf32>
        %sub3A_270 = vector.broadcast %mul3A_5 : i32 to vector<16xi32>
        %sub3A_271 = arith.subi %get3A_260, %sub3A_270 : vector<16xi32>
        %bitcast3A_272 = vector.bitcast %sub3A_271 : vector<16xi32> to vector<16xi32>
        %lt3A_273 = arith.constant 320 : i32
        %lt3A_274 = vector.broadcast %lt3A_273 : i32 to vector<16xi32>
        %lt3A_275 = arith.cmpi ult, %bitcast3A_272, %lt3A_274 : vector<16xi32>
        %broadcast_in_dim3A_276 = arith.constant 1.000000e+00 : f32
        %broadcast_in_dim3A_277 = vector.broadcast %broadcast_in_dim3A_276 : f32 to vector<16xf32>
        %select_n3A_278 = arith.select %lt3A_275, %broadcast_in_dim3A_277, %broadcast_in_dim3A_0 : vector<16xi1>, vector<16xf32>
        %reduce_sum3A_279 = arith.constant true
        %reduce_sum3A_280 = vector.broadcast %reduce_sum3A_279 : i1 to vector<16xi1>
        %reduce_sum3A_281 = tpu.scan <sum>, %select_n3A_278 masked %reduce_sum3A_280 : vector<16xf32>, vector<16xi1> -> vector<16xf32>
        %reduce_sum3A_282 = vector.extract %reduce_sum3A_281[15] : f32 from vector<16xf32>
        %convert_element_type3A_283 = arith.fptosi %reduce_sum3A_282 : f32 to i32
        %min3A_284 = arith.constant 21504 : i32
        %min3A_285 = arith.minsi %add3A_256, %min3A_284 : i32
        %swap3A_286 = arith.index_cast %min3A_285 : i32 to index
        %swap3A_287 = tpu.vector_load %arg5[%swap3A_286] masked %lt3A_275 {strides = array<i32>} : memref<21520xi32, #tpu.memory_space<vmem>>, vector<16xi32>, vector<16xi1>
        tpu.vector_store %arg5[%swap3A_286], %sub3A_271 masked %lt3A_275 {strides = array<i32>} : memref<21520xi32, #tpu.memory_space<vmem>>, vector<16xi32>, vector<16xi1>
        %swap3A_288 = arith.index_cast %min3A_285 : i32 to index
        %swap3A_289 = tpu.vector_load %arg6[%swap3A_288] masked %lt3A_275 {strides = array<i32>} : memref<21520xi32, #tpu.memory_space<vmem>>, vector<16xi32>, vector<16xi1>
        tpu.vector_store %arg6[%swap3A_288], %get3A_264 masked %lt3A_275 {strides = array<i32>} : memref<21520xi32, #tpu.memory_space<vmem>>, vector<16xi32>, vector<16xi1>
        %swap3A_290 = arith.index_cast %min3A_285 : i32 to index
        %swap3A_291 = tpu.vector_load %arg7[%swap3A_290] masked %lt3A_275 {strides = array<i32>} : memref<21520xf32, #tpu.memory_space<vmem>>, vector<16xf32>, vector<16xi1>
        tpu.vector_store %arg7[%swap3A_290], %bitcast3A_269 masked %lt3A_275 {strides = array<i32>} : memref<21520xf32, #tpu.memory_space<vmem>>, vector<16xf32>, vector<16xi1>
        %add3A_292 = arith.addi %add3A_256, %convert_element_type3A_283 : i32
        %sub3A_293 = vector.broadcast %mul3A_5 : i32 to vector<16xi32>
        %sub3A_294 = arith.subi %get3A_264, %sub3A_293 : vector<16xi32>
        %bitcast3A_295 = vector.bitcast %sub3A_294 : vector<16xi32> to vector<16xi32>
        %lt3A_296 = arith.constant 320 : i32
        %lt3A_297 = vector.broadcast %lt3A_296 : i32 to vector<16xi32>
        %lt3A_298 = arith.cmpi ult, %bitcast3A_295, %lt3A_297 : vector<16xi32>
        %broadcast_in_dim3A_299 = arith.constant 1.000000e+00 : f32
        %broadcast_in_dim3A_300 = vector.broadcast %broadcast_in_dim3A_299 : f32 to vector<16xf32>
        %select_n3A_301 = arith.select %lt3A_298, %broadcast_in_dim3A_300, %broadcast_in_dim3A_0 : vector<16xi1>, vector<16xf32>
        %reduce_sum3A_302 = arith.constant true
        %reduce_sum3A_303 = vector.broadcast %reduce_sum3A_302 : i1 to vector<16xi1>
        %reduce_sum3A_304 = tpu.scan <sum>, %select_n3A_301 masked %reduce_sum3A_303 : vector<16xf32>, vector<16xi1> -> vector<16xf32>
        %reduce_sum3A_305 = vector.extract %reduce_sum3A_304[15] : f32 from vector<16xf32>
        %convert_element_type3A_306 = arith.fptosi %reduce_sum3A_305 : f32 to i32
        %min3A_307 = arith.constant 21504 : i32
        %min3A_308 = arith.minsi %add3A_292, %min3A_307 : i32
        %swap3A_309 = arith.index_cast %min3A_308 : i32 to index
        %swap3A_310 = tpu.vector_load %arg5[%swap3A_309] masked %lt3A_298 {strides = array<i32>} : memref<21520xi32, #tpu.memory_space<vmem>>, vector<16xi32>, vector<16xi1>
        tpu.vector_store %arg5[%swap3A_309], %sub3A_294 masked %lt3A_298 {strides = array<i32>} : memref<21520xi32, #tpu.memory_space<vmem>>, vector<16xi32>, vector<16xi1>
        %swap3A_311 = arith.index_cast %min3A_308 : i32 to index
        %swap3A_312 = tpu.vector_load %arg6[%swap3A_311] masked %lt3A_298 {strides = array<i32>} : memref<21520xi32, #tpu.memory_space<vmem>>, vector<16xi32>, vector<16xi1>
        tpu.vector_store %arg6[%swap3A_311], %get3A_260 masked %lt3A_298 {strides = array<i32>} : memref<21520xi32, #tpu.memory_space<vmem>>, vector<16xi32>, vector<16xi1>
        %swap3A_313 = arith.index_cast %min3A_308 : i32 to index
        %swap3A_314 = tpu.vector_load %arg7[%swap3A_313] masked %lt3A_298 {strides = array<i32>} : memref<21520xf32, #tpu.memory_space<vmem>>, vector<16xf32>, vector<16xi1>
        tpu.vector_store %arg7[%swap3A_313], %bitcast3A_269 masked %lt3A_298 {strides = array<i32>} : memref<21520xf32, #tpu.memory_space<vmem>>, vector<16xf32>, vector<16xi1>
        %add3A_315 = arith.addi %add3A_292, %convert_element_type3A_306 : i32
        scf.yield %add3A_315 : i32
      }
      %scan3A_194 = arith.constant 100 : i32
      scf.yield %scan3A_193 : i32
    }
    %scan3A_19 = arith.constant 50 : i32
    %min3A = arith.constant 21504 : i32
    %min3A_20 = arith.minsi %scan3A_18, %min3A : i32
    %broadcast_in_dim3A_21 = arith.constant 320 : i32
    %broadcast_in_dim3A_22 = vector.broadcast %broadcast_in_dim3A_21 : i32 to vector<16xi32>
    %swap3A = arith.index_cast %min3A_20 : i32 to index
    %swap3A_23 = tpu.vector_load %arg5[%swap3A] {strides = array<i32>} : memref<21520xi32, #tpu.memory_space<vmem>>, vector<16xi32>,
    tpu.vector_store %arg5[%swap3A], %broadcast_in_dim3A_22 {strides = array<i32>} : memref<21520xi32, #tpu.memory_space<vmem>>, vector<16xi32>,
    %swap3A_24 = arith.index_cast %min3A_20 : i32 to index
    %swap3A_25 = tpu.vector_load %arg6[%swap3A_24] {strides = array<i32>} : memref<21520xi32, #tpu.memory_space<vmem>>, vector<16xi32>,
    tpu.vector_store %arg6[%swap3A_24], %broadcast_in_dim3A_2 {strides = array<i32>} : memref<21520xi32, #tpu.memory_space<vmem>>, vector<16xi32>,
    %swap3A_26 = arith.index_cast %min3A_20 : i32 to index
    %swap3A_27 = tpu.vector_load %arg7[%swap3A_26] {strides = array<i32>} : memref<21520xf32, #tpu.memory_space<vmem>>, vector<16xf32>,
    tpu.vector_store %arg7[%swap3A_26], %broadcast_in_dim3A_0 {strides = array<i32>} : memref<21520xf32, #tpu.memory_space<vmem>>, vector<16xf32>,
    %jit3A = arith.constant 16 : i32
    %div3A = arith.divsi %min3A_20, %jit3A : i32
    %sign3A = arith.constant 0 : i32
    %sign3A_28 = arith.cmpi sgt, %min3A_20, %sign3A : i32
    %sign3A_29 = arith.extui %sign3A_28 : i1 to i32
    %sign3A_30 = arith.constant 0 : i32
    %sign3A_31 = arith.cmpi slt, %min3A_20, %sign3A_30 : i32
    %sign3A_32 = arith.extui %sign3A_31 : i1 to i32
    %sign3A_33 = arith.subi %sign3A_29, %sign3A_32 : i32
    %sign3A_34 = arith.constant 0 : i32
    %sign3A_35 = arith.cmpi sgt, %jit3A, %sign3A_34 : i32
    %sign3A_36 = arith.extui %sign3A_35 : i1 to i32
    %sign3A_37 = arith.constant 0 : i32
    %sign3A_38 = arith.cmpi slt, %jit3A, %sign3A_37 : i32
    %sign3A_39 = arith.extui %sign3A_38 : i1 to i32
    %sign3A_40 = arith.subi %sign3A_36, %sign3A_39 : i32
    %ne3A = arith.cmpi ne, %sign3A_33, %sign3A_40 : i32
    %rem3A = arith.remsi %min3A_20, %jit3A : i32
    %ne3A_41 = arith.constant 0 : i32
    %ne3A_42 = arith.cmpi ne, %rem3A, %ne3A_41 : i32
    %and3A = arith.andi %ne3A, %ne3A_42 : i1
    %sub3A = arith.constant 1 : i32
    %sub3A_43 = arith.subi %div3A, %sub3A : i32
    %select_n3A = arith.select %and3A, %sub3A_43, %div3A : i32
    %add3A_44 = arith.constant 1 : i32
    %add3A_45 = arith.addi %select_n3A, %add3A_44 : i32
    %scan3A_46 = arith.constant 0 : i32
    %scan3A_47 = arith.constant 0 : i32
    %scan3A_48 = arith.constant 21 : i32
    %scan3A_49 = arith.addi %scan3A_47, %scan3A_48 : i32
    %scan3A_50 = arith.constant 1 : i32
    %scan3A_51 = scf.for %scan3A_150 = %scan3A_47 to %scan3A_49 step %scan3A_50 iter_args(%scan3A_151 = %scan3A_46) -> (i32)  : i32 {
      %mul3A_152 = arith.constant 16 : i32
      %mul3A_153 = arith.muli %scan3A_150, %mul3A_152 : i32
      %swap3A_154 = arith.index_cast %mul3A_153 : i32 to index
      %swap3A_155 = tpu.vector_load %arg10[%swap3A_154] {strides = array<i32>} : memref<336xf32, #tpu.memory_space<vmem>>, vector<16xf32>,
      tpu.vector_store %arg10[%swap3A_154], %broadcast_in_dim3A_0 {strides = array<i32>} : memref<336xf32, #tpu.memory_space<vmem>>, vector<16xf32>,
      %scan3A_156 = arith.constant 0 : i32
      scf.yield %scan3A_156 : i32
    }
    %scan3A_52 = arith.constant 21 : i32
    %while3A = arith.constant 0 : i32
    %while3A_53 = arith.constant 0 : i32
    %while3A_54 = arith.subi %add3A_45, %while3A : i32
    %while3A_55 = arith.addi %while3A, %while3A_54 : i32
    %while3A_56 = arith.constant 1 : i32
    %while3A_57 = arith.divsi %while3A_54, %while3A_56 : i32
    %while3A_58 = arith.muli %while3A_57, %while3A_56 : i32
    %while3A_59 = arith.addi %while3A, %while3A_58 : i32
    %while3A_60 = arith.constant 1 : i32
    %while3A_61 = scf.for %while3A_150 = %while3A to %while3A_59 step %while3A_60 iter_args(%while3A_151 = %while3A_53) -> (i32)  : i32 {
      %mul3A_152 = arith.constant 16 : i32
      %mul3A_153 = arith.muli %while3A_150, %mul3A_152 : i32
      %get3A_154 = arith.index_cast %mul3A_153 : i32 to index
      %get3A_155 = tpu.vector_load %arg5[%get3A_154] {strides = array<i32>} : memref<21520xi32, #tpu.memory_space<vmem>>, vector<16xi32>,
      %broadcast_in_dim3A_156 = arith.constant true
      %broadcast_in_dim3A_157 = vector.broadcast %broadcast_in_dim3A_156 : i1 to vector<16xi1>
      %unique3A, %unique3A_158 = tpu.scan_count mask(%broadcast_in_dim3A_157 : vector<16xi1>) value(%get3A_155 : vector<16xi32>) : vector<16xi1>, vector<16xi32>
      %convert_element_type3A = arith.sitofp %unique3A_158 : vector<16xi32> to vector<16xf32>
      tpu.vector_store_idx %arg10[%get3A_155], %convert_element_type3A masked %unique3A {add = true} : memref<336xf32, #tpu.memory_space<vmem>>[vector<16xi32>], vector<16xf32>, vector<16xi1>
      %while3A_159 = arith.constant 0 : i32
      scf.yield %while3A_159 : i32
    }
    %while3A_62 = arith.constant 1 : i32
    %while3A_63 = scf.for %while3A_150 = %while3A_59 to %while3A_55 step %while3A_62 iter_args(%while3A_151 = %while3A_61) -> (i32)  : i32 {
      %mul3A_152 = arith.constant 16 : i32
      %mul3A_153 = arith.muli %while3A_150, %mul3A_152 : i32
      %get3A_154 = arith.index_cast %mul3A_153 : i32 to index
      %get3A_155 = tpu.vector_load %arg5[%get3A_154] {strides = array<i32>} : memref<21520xi32, #tpu.memory_space<vmem>>, vector<16xi32>,
      %broadcast_in_dim3A_156 = arith.constant true
      %broadcast_in_dim3A_157 = vector.broadcast %broadcast_in_dim3A_156 : i1 to vector<16xi1>
      %unique3A, %unique3A_158 = tpu.scan_count mask(%broadcast_in_dim3A_157 : vector<16xi1>) value(%get3A_155 : vector<16xi32>) : vector<16xi1>, vector<16xi32>
      %convert_element_type3A = arith.sitofp %unique3A_158 : vector<16xi32> to vector<16xf32>
      tpu.vector_store_idx %arg10[%get3A_155], %convert_element_type3A masked %unique3A {add = true} : memref<336xf32, #tpu.memory_space<vmem>>[vector<16xi32>], vector<16xf32>, vector<16xi1>
      %while3A_159 = arith.constant 0 : i32
      scf.yield %while3A_159 : i32
    }
    %scan3A_64 = arith.constant 0.000000e+00 : f32
    %scan3A_65 = arith.constant 0 : i32
    %scan3A_66 = arith.constant 21 : i32
    %scan3A_67 = arith.addi %scan3A_65, %scan3A_66 : i32
    %scan3A_68 = arith.constant 1 : i32
    %scan3A_69 = scf.for %scan3A_150 = %scan3A_65 to %scan3A_67 step %scan3A_68 iter_args(%scan3A_151 = %scan3A_64) -> (f32)  : i32 {
      %mul3A_152 = arith.constant 16 : i32
      %mul3A_153 = arith.muli %scan3A_150, %mul3A_152 : i32
      %get3A_154 = arith.index_cast %mul3A_153 : i32 to index
      %get3A_155 = tpu.vector_load %arg10[%get3A_154] {strides = array<i32>} : memref<336xf32, #tpu.memory_space<vmem>>, vector<16xf32>,
      %broadcast_in_dim3A_156 = arith.constant true
      %broadcast_in_dim3A_157 = vector.broadcast %broadcast_in_dim3A_156 : i1 to vector<16xi1>
      %masked_cumsum3A = tpu.scan <sum>, %get3A_155 masked %broadcast_in_dim3A_157 : vector<16xf32>, vector<16xi1> -> vector<16xf32>
      %sub3A_158 = arith.subf %masked_cumsum3A, %get3A_155 : vector<16xf32>
      %add3A_159 = vector.broadcast %scan3A_151 : f32 to vector<16xf32>
      %add3A_160 = arith.addf %sub3A_158, %add3A_159 : vector<16xf32>
      %mul3A_161 = arith.constant 16 : i32
      %mul3A_162 = arith.muli %scan3A_150, %mul3A_161 : i32
      %swap3A_163 = arith.index_cast %mul3A_162 : i32 to index
      %swap3A_164 = tpu.vector_load %arg11[%swap3A_163] {strides = array<i32>} : memref<336xf32, #tpu.memory_space<vmem>>, vector<16xf32>,
      tpu.vector_store %arg11[%swap3A_163], %add3A_160 {strides = array<i32>} : memref<336xf32, #tpu.memory_space<vmem>>, vector<16xf32>,
      %mul3A_165 = arith.constant 16 : i32
      %mul3A_166 = arith.muli %scan3A_150, %mul3A_165 : i32
      %swap3A_167 = arith.index_cast %mul3A_166 : i32 to index
      %swap3A_168 = tpu.vector_load %arg12[%swap3A_167] {strides = array<i32>} : memref<336xf32, #tpu.memory_space<vmem>>, vector<16xf32>,
      tpu.vector_store %arg12[%swap3A_167], %add3A_160 {strides = array<i32>} : memref<336xf32, #tpu.memory_space<vmem>>, vector<16xf32>,
      %reduce_sum3A_169 = arith.constant true
      %reduce_sum3A_170 = vector.broadcast %reduce_sum3A_169 : i1 to vector<16xi1>
      %reduce_sum3A_171 = tpu.scan <sum>, %get3A_155 masked %reduce_sum3A_170 : vector<16xf32>, vector<16xi1> -> vector<16xf32>
      %reduce_sum3A_172 = vector.extract %reduce_sum3A_171[15] : f32 from vector<16xf32>
      %add3A_173 = arith.addf %scan3A_151, %reduce_sum3A_172 : f32
      scf.yield %add3A_173 : f32
    }
    %scan3A_70 = arith.constant 21 : i32
    %while3A_71 = arith.constant 0 : i32
    %while3A_72 = arith.constant 0 : i32
    %while3A_73 = arith.subi %add3A_45, %while3A_71 : i32
    %while3A_74 = arith.addi %while3A_71, %while3A_73 : i32
    %while3A_75 = arith.constant 1 : i32
    %while3A_76 = arith.divsi %while3A_73, %while3A_75 : i32
    %while3A_77 = arith.muli %while3A_76, %while3A_75 : i32
    %while3A_78 = arith.addi %while3A_71, %while3A_77 : i32
    %while3A_79 = arith.constant 1 : i32
    %while3A_80 = scf.for %while3A_150 = %while3A_71 to %while3A_78 step %while3A_79 iter_args(%while3A_151 = %while3A_72) -> (i32)  : i32 {
      %mul3A_152 = arith.constant 16 : i32
      %mul3A_153 = arith.muli %while3A_150, %mul3A_152 : i32
      %get3A_154 = arith.index_cast %mul3A_153 : i32 to index
      %get3A_155 = tpu.vector_load %arg5[%get3A_154] {strides = array<i32>} : memref<21520xi32, #tpu.memory_space<vmem>>, vector<16xi32>,
      %mul3A_156 = arith.constant 16 : i32
      %mul3A_157 = arith.muli %while3A_150, %mul3A_156 : i32
      %get3A_158 = arith.index_cast %mul3A_157 : i32 to index
      %get3A_159 = tpu.vector_load %arg6[%get3A_158] {strides = array<i32>} : memref<21520xi32, #tpu.memory_space<vmem>>, vector<16xi32>,
      %mul3A_160 = arith.constant 16 : i32
      %mul3A_161 = arith.muli %while3A_150, %mul3A_160 : i32
      %get3A_162 = arith.index_cast %mul3A_161 : i32 to index
      %get3A_163 = tpu.vector_load %arg7[%get3A_162] {strides = array<i32>} : memref<21520xf32, #tpu.memory_space<vmem>>, vector<16xf32>,
      %broadcast_in_dim3A_164 = arith.constant true
      %broadcast_in_dim3A_165 = vector.broadcast %broadcast_in_dim3A_164 : i1 to vector<16xi1>
      %unique3A, %unique3A_166 = tpu.scan_count mask(%broadcast_in_dim3A_165 : vector<16xi1>) value(%get3A_155 : vector<16xi32>) : vector<16xi1>, vector<16xi32>
      %convert_element_type3A = arith.sitofp %unique3A_166 : vector<16xi32> to vector<16xf32>
      %gather3A = tpu.vector_load_idx %arg11[%get3A_155] : memref<336xf32, #tpu.memory_space<vmem>>[vector<16xi32>], vector<16xf32>,
      %add3A_167 = arith.addf %gather3A, %convert_element_type3A : vector<16xf32>
      %convert_element_type3A_168 = arith.fptosi %add3A_167 : vector<16xf32> to vector<16xi32>
      %sub3A_169 = arith.constant 1 : i32
      %sub3A_170 = vector.broadcast %sub3A_169 : i32 to vector<16xi32>
      %sub3A_171 = arith.subi %convert_element_type3A_168, %sub3A_170 : vector<16xi32>
      tpu.vector_store_idx %arg8[%sub3A_171], %get3A_159 : memref<21552xi32, #tpu.memory_space<vmem>>[vector<16xi32>], vector<16xi32>,
      tpu.vector_store_idx %arg9[%sub3A_171], %get3A_163 : memref<21552xf32, #tpu.memory_space<vmem>>[vector<16xi32>], vector<16xf32>,
      tpu.vector_store_idx %arg11[%get3A_155], %convert_element_type3A masked %unique3A {add = true} : memref<336xf32, #tpu.memory_space<vmem>>[vector<16xi32>], vector<16xf32>, vector<16xi1>
      %while3A_172 = arith.constant 0 : i32
      scf.yield %while3A_172 : i32
    }
    %while3A_81 = arith.constant 1 : i32
    %while3A_82 = scf.for %while3A_150 = %while3A_78 to %while3A_74 step %while3A_81 iter_args(%while3A_151 = %while3A_80) -> (i32)  : i32 {
      %mul3A_152 = arith.constant 16 : i32
      %mul3A_153 = arith.muli %while3A_150, %mul3A_152 : i32
      %get3A_154 = arith.index_cast %mul3A_153 : i32 to index
      %get3A_155 = tpu.vector_load %arg5[%get3A_154] {strides = array<i32>} : memref<21520xi32, #tpu.memory_space<vmem>>, vector<16xi32>,
      %mul3A_156 = arith.constant 16 : i32
      %mul3A_157 = arith.muli %while3A_150, %mul3A_156 : i32
      %get3A_158 = arith.index_cast %mul3A_157 : i32 to index
      %get3A_159 = tpu.vector_load %arg6[%get3A_158] {strides = array<i32>} : memref<21520xi32, #tpu.memory_space<vmem>>, vector<16xi32>,
      %mul3A_160 = arith.constant 16 : i32
      %mul3A_161 = arith.muli %while3A_150, %mul3A_160 : i32
      %get3A_162 = arith.index_cast %mul3A_161 : i32 to index
      %get3A_163 = tpu.vector_load %arg7[%get3A_162] {strides = array<i32>} : memref<21520xf32, #tpu.memory_space<vmem>>, vector<16xf32>,
      %broadcast_in_dim3A_164 = arith.constant true
      %broadcast_in_dim3A_165 = vector.broadcast %broadcast_in_dim3A_164 : i1 to vector<16xi1>
      %unique3A, %unique3A_166 = tpu.scan_count mask(%broadcast_in_dim3A_165 : vector<16xi1>) value(%get3A_155 : vector<16xi32>) : vector<16xi1>, vector<16xi32>
      %convert_element_type3A = arith.sitofp %unique3A_166 : vector<16xi32> to vector<16xf32>
      %gather3A = tpu.vector_load_idx %arg11[%get3A_155] : memref<336xf32, #tpu.memory_space<vmem>>[vector<16xi32>], vector<16xf32>,
      %add3A_167 = arith.addf %gather3A, %convert_element_type3A : vector<16xf32>
      %convert_element_type3A_168 = arith.fptosi %add3A_167 : vector<16xf32> to vector<16xi32>
      %sub3A_169 = arith.constant 1 : i32
      %sub3A_170 = vector.broadcast %sub3A_169 : i32 to vector<16xi32>
      %sub3A_171 = arith.subi %convert_element_type3A_168, %sub3A_170 : vector<16xi32>
      tpu.vector_store_idx %arg8[%sub3A_171], %get3A_159 : memref<21552xi32, #tpu.memory_space<vmem>>[vector<16xi32>], vector<16xi32>,
      tpu.vector_store_idx %arg9[%sub3A_171], %get3A_163 : memref<21552xf32, #tpu.memory_space<vmem>>[vector<16xi32>], vector<16xf32>,
      tpu.vector_store_idx %arg11[%get3A_155], %convert_element_type3A masked %unique3A {add = true} : memref<336xf32, #tpu.memory_space<vmem>>[vector<16xi32>], vector<16xf32>, vector<16xi1>
      %while3A_172 = arith.constant 0 : i32
      scf.yield %while3A_172 : i32
    }
    %scan3A_83 = arith.constant 0 : i32
    %scan3A_84 = arith.constant 0 : i32
    %scan3A_85 = arith.constant 625 : i32
    %scan3A_86 = arith.addi %scan3A_84, %scan3A_85 : i32
    %scan3A_87 = arith.constant 1 : i32
    %scan3A_88 = scf.for %scan3A_150 = %scan3A_84 to %scan3A_86 step %scan3A_87 iter_args(%scan3A_151 = %scan3A_83) -> (i32)  : i32 {
      %broadcast_in_dim3A_152 = arith.constant -1 : i32
      %broadcast_in_dim3A_153 = vector.broadcast %broadcast_in_dim3A_152 : i32 to vector<16xi32>
      %mul3A_154 = arith.constant 16 : i32
      %mul3A_155 = arith.muli %scan3A_150, %mul3A_154 : i32
      %swap3A_156 = arith.index_cast %mul3A_155 : i32 to index
      %swap3A_157 = tpu.vector_load %arg5[%swap3A_156] {strides = array<i32>} : memref<21520xi32, #tpu.memory_space<vmem>>, vector<16xi32>,
      tpu.vector_store %arg5[%swap3A_156], %broadcast_in_dim3A_153 {strides = array<i32>} : memref<21520xi32, #tpu.memory_space<vmem>>, vector<16xi32>,
      %scan3A_158 = arith.constant 0 : i32
      scf.yield %scan3A_158 : i32
    }
    %scan3A_89 = arith.constant 625 : i32
    %iota3A_90 = tpu.iota {dimensions = array<i32: 0>} : vector<16xi32>
    %broadcast_in_dim3A_91 = arith.constant 0.000000e+00 : f32
    %broadcast_in_dim3A_92 = vector.broadcast %broadcast_in_dim3A_91 : f32 to vector<16xf32>
    %eq3A = arith.constant 0 : i32
    %eq3A_93 = vector.broadcast %eq3A : i32 to vector<16xi32>
    %eq3A_94 = arith.cmpi eq, %iota3A_90, %eq3A_93 : vector<16xi32>
    %select_n3A_95 = arith.select %eq3A_94, %get3A_6, %broadcast_in_dim3A_92 : vector<16xi1>, vector<16xf32>
    %reduce_sum3A = arith.constant true
    %reduce_sum3A_96 = vector.broadcast %reduce_sum3A : i1 to vector<16xi1>
    %reduce_sum3A_97 = tpu.scan <sum>, %select_n3A_95 masked %reduce_sum3A_96 : vector<16xf32>, vector<16xi1> -> vector<16xf32>
    %reduce_sum3A_98 = vector.extract %reduce_sum3A_97[15] : f32 from vector<16xf32>
    %iota3A_99 = tpu.iota {dimensions = array<i32: 0>} : vector<16xi32>
    %broadcast_in_dim3A_100 = arith.constant 0.000000e+00 : f32
    %broadcast_in_dim3A_101 = vector.broadcast %broadcast_in_dim3A_100 : f32 to vector<16xf32>
    %eq3A_102 = arith.constant 1 : i32
    %eq3A_103 = vector.broadcast %eq3A_102 : i32 to vector<16xi32>
    %eq3A_104 = arith.cmpi eq, %iota3A_99, %eq3A_103 : vector<16xi32>
    %select_n3A_105 = arith.select %eq3A_104, %get3A_6, %broadcast_in_dim3A_101 : vector<16xi1>, vector<16xf32>
    %reduce_sum3A_106 = arith.constant true
    %reduce_sum3A_107 = vector.broadcast %reduce_sum3A_106 : i1 to vector<16xi1>
    %reduce_sum3A_108 = tpu.scan <sum>, %select_n3A_105 masked %reduce_sum3A_107 : vector<16xf32>, vector<16xi1> -> vector<16xf32>
    %reduce_sum3A_109 = vector.extract %reduce_sum3A_108[15] : f32 from vector<16xf32>
    %iota3A_110 = tpu.iota {dimensions = array<i32: 0>} : vector<16xi32>
    %broadcast_in_dim3A_111 = arith.constant 0.000000e+00 : f32
    %broadcast_in_dim3A_112 = vector.broadcast %broadcast_in_dim3A_111 : f32 to vector<16xf32>
    %eq3A_113 = arith.constant 2 : i32
    %eq3A_114 = vector.broadcast %eq3A_113 : i32 to vector<16xi32>
    %eq3A_115 = arith.cmpi eq, %iota3A_110, %eq3A_114 : vector<16xi32>
    %select_n3A_116 = arith.select %eq3A_115, %get3A_6, %broadcast_in_dim3A_112 : vector<16xi1>, vector<16xf32>
    %reduce_sum3A_117 = arith.constant true
    %reduce_sum3A_118 = vector.broadcast %reduce_sum3A_117 : i1 to vector<16xi1>
    %reduce_sum3A_119 = tpu.scan <sum>, %select_n3A_116 masked %reduce_sum3A_118 : vector<16xf32>, vector<16xi1> -> vector<16xf32>
    %reduce_sum3A_120 = vector.extract %reduce_sum3A_119[15] : f32 from vector<16xf32>
    %iota3A_121 = tpu.iota {dimensions = array<i32: 0>} : vector<16xi32>
    %broadcast_in_dim3A_122 = arith.constant 0.000000e+00 : f32
    %broadcast_in_dim3A_123 = vector.broadcast %broadcast_in_dim3A_122 : f32 to vector<16xf32>
    %eq3A_124 = arith.constant 3 : i32
    %eq3A_125 = vector.broadcast %eq3A_124 : i32 to vector<16xi32>
    %eq3A_126 = arith.cmpi eq, %iota3A_121, %eq3A_125 : vector<16xi32>
    %select_n3A_127 = arith.select %eq3A_126, %get3A_6, %broadcast_in_dim3A_123 : vector<16xi1>, vector<16xf32>
    %reduce_sum3A_128 = arith.constant true
    %reduce_sum3A_129 = vector.broadcast %reduce_sum3A_128 : i1 to vector<16xi1>
    %reduce_sum3A_130 = tpu.scan <sum>, %select_n3A_127 masked %reduce_sum3A_129 : vector<16xf32>, vector<16xi1> -> vector<16xf32>
    %reduce_sum3A_131 = vector.extract %reduce_sum3A_130[15] : f32 from vector<16xf32>
    %iota3A_132 = tpu.iota {dimensions = array<i32: 0>} : vector<16xi32>
    %broadcast_in_dim3A_133 = arith.constant 0.000000e+00 : f32
    %broadcast_in_dim3A_134 = vector.broadcast %broadcast_in_dim3A_133 : f32 to vector<16xf32>
    %eq3A_135 = arith.constant 4 : i32
    %eq3A_136 = vector.broadcast %eq3A_135 : i32 to vector<16xi32>
    %eq3A_137 = arith.cmpi eq, %iota3A_132, %eq3A_136 : vector<16xi32>
    %select_n3A_138 = arith.select %eq3A_137, %get3A_6, %broadcast_in_dim3A_134 : vector<16xi1>, vector<16xf32>
    %reduce_sum3A_139 = arith.constant true
    %reduce_sum3A_140 = vector.broadcast %reduce_sum3A_139 : i1 to vector<16xi1>
    %reduce_sum3A_141 = tpu.scan <sum>, %select_n3A_138 masked %reduce_sum3A_140 : vector<16xf32>, vector<16xi1> -> vector<16xf32>
    %reduce_sum3A_142 = vector.extract %reduce_sum3A_141[15] : f32 from vector<16xf32>
    %scan3A_143 = arith.constant 0 : i32
    %scan3A_144 = arith.constant 0 : i32
    %scan3A_145 = arith.constant 320 : i32
    %scan3A_146 = arith.addi %scan3A_144, %scan3A_145 : i32
    %scan3A_147 = arith.constant 1 : i32
    %scan3A_148 = scf.for %scan3A_150 = %scan3A_144 to %scan3A_146 step %scan3A_147 iter_args(%scan3A_151 = %scan3A_143) -> (i32)  : i32 {
      %get3A_152 = arith.index_cast %scan3A_150 : i32 to index
      %get3A_153 = tpu.vector_load %arg12[%get3A_152] {strides = array<i32>} : memref<336xf32, #tpu.memory_space<vmem>>, vector<16xf32>,
      %iota3A_154 = tpu.iota {dimensions = array<i32: 0>} : vector<16xi32>
      %broadcast_in_dim3A_155 = arith.constant 0.000000e+00 : f32
      %broadcast_in_dim3A_156 = vector.broadcast %broadcast_in_dim3A_155 : f32 to vector<16xf32>
      %eq3A_157 = arith.constant 0 : i32
      %eq3A_158 = vector.broadcast %eq3A_157 : i32 to vector<16xi32>
      %eq3A_159 = arith.cmpi eq, %iota3A_154, %eq3A_158 : vector<16xi32>
      %select_n3A_160 = arith.select %eq3A_159, %get3A_153, %broadcast_in_dim3A_156 : vector<16xi1>, vector<16xf32>
      %reduce_sum3A_161 = arith.constant true
      %reduce_sum3A_162 = vector.broadcast %reduce_sum3A_161 : i1 to vector<16xi1>
      %reduce_sum3A_163 = tpu.scan <sum>, %select_n3A_160 masked %reduce_sum3A_162 : vector<16xf32>, vector<16xi1> -> vector<16xf32>
      %reduce_sum3A_164 = vector.extract %reduce_sum3A_163[15] : f32 from vector<16xf32>
      %convert_element_type3A = arith.fptosi %reduce_sum3A_164 : f32 to i32
      %iota3A_165 = tpu.iota {dimensions = array<i32: 0>} : vector<16xi32>
      %broadcast_in_dim3A_166 = arith.constant 0.000000e+00 : f32
      %broadcast_in_dim3A_167 = vector.broadcast %broadcast_in_dim3A_166 : f32 to vector<16xf32>
      %eq3A_168 = arith.constant 1 : i32
      %eq3A_169 = vector.broadcast %eq3A_168 : i32 to vector<16xi32>
      %eq3A_170 = arith.cmpi eq, %iota3A_165, %eq3A_169 : vector<16xi32>
      %select_n3A_171 = arith.select %eq3A_170, %get3A_153, %broadcast_in_dim3A_167 : vector<16xi1>, vector<16xf32>
      %reduce_sum3A_172 = arith.constant true
      %reduce_sum3A_173 = vector.broadcast %reduce_sum3A_172 : i1 to vector<16xi1>
      %reduce_sum3A_174 = tpu.scan <sum>, %select_n3A_171 masked %reduce_sum3A_173 : vector<16xf32>, vector<16xi1> -> vector<16xf32>
      %reduce_sum3A_175 = vector.extract %reduce_sum3A_174[15] : f32 from vector<16xf32>
      %convert_element_type3A_176 = arith.fptosi %reduce_sum3A_175 : f32 to i32
      %sub3A_177 = arith.subi %convert_element_type3A_176, %convert_element_type3A : i32
      %add3A_178 = arith.constant 15 : i32
      %add3A_179 = arith.addi %sub3A_177, %add3A_178 : i32
      %jit3A_180 = arith.constant 16 : i32
      %div3A_181 = arith.divsi %add3A_179, %jit3A_180 : i32
      %sign3A_182 = arith.constant 0 : i32
      %sign3A_183 = arith.cmpi sgt, %add3A_179, %sign3A_182 : i32
      %sign3A_184 = arith.extui %sign3A_183 : i1 to i32
      %sign3A_185 = arith.constant 0 : i32
      %sign3A_186 = arith.cmpi slt, %add3A_179, %sign3A_185 : i32
      %sign3A_187 = arith.extui %sign3A_186 : i1 to i32
      %sign3A_188 = arith.subi %sign3A_184, %sign3A_187 : i32
      %sign3A_189 = arith.constant 0 : i32
      %sign3A_190 = arith.cmpi sgt, %jit3A_180, %sign3A_189 : i32
      %sign3A_191 = arith.extui %sign3A_190 : i1 to i32
      %sign3A_192 = arith.constant 0 : i32
      %sign3A_193 = arith.cmpi slt, %jit3A_180, %sign3A_192 : i32
      %sign3A_194 = arith.extui %sign3A_193 : i1 to i32
      %sign3A_195 = arith.subi %sign3A_191, %sign3A_194 : i32
      %ne3A_196 = arith.cmpi ne, %sign3A_188, %sign3A_195 : i32
      %rem3A_197 = arith.remsi %add3A_179, %jit3A_180 : i32
      %ne3A_198 = arith.constant 0 : i32
      %ne3A_199 = arith.cmpi ne, %rem3A_197, %ne3A_198 : i32
      %and3A_200 = arith.andi %ne3A_196, %ne3A_199 : i1
      %sub3A_201 = arith.constant 1 : i32
      %sub3A_202 = arith.subi %div3A_181, %sub3A_201 : i32
      %select_n3A_203 = arith.select %and3A_200, %sub3A_202, %div3A_181 : i32
      %add3A_204 = arith.addi %mul3A_5, %scan3A_150 : i32
      %while3A_205 = arith.constant 0 : i32
      %while3A_206 = arith.constant 0 : i32
      %while3A_207 = arith.subi %select_n3A_203, %while3A_205 : i32
      %while3A_208 = arith.addi %while3A_205, %while3A_207 : i32
      %while3A_209 = arith.constant 1 : i32
      %while3A_210 = arith.divsi %while3A_207, %while3A_209 : i32
      %while3A_211 = arith.muli %while3A_210, %while3A_209 : i32
      %while3A_212 = arith.addi %while3A_205, %while3A_211 : i32
      %while3A_213 = arith.constant 1 : i32
      %while3A_214 = scf.for %while3A_344 = %while3A_205 to %while3A_212 step %while3A_213 iter_args(%while3A_345 = %while3A_206) -> (i32)  : i32 {
        %mul3A_346 = arith.constant 16 : i32
        %mul3A_347 = arith.muli %while3A_344, %mul3A_346 : i32
        %add3A_348 = arith.addi %convert_element_type3A, %mul3A_347 : i32
        %mul3A_349 = arith.constant 16 : i32
        %mul3A_350 = arith.muli %while3A_344, %mul3A_349 : i32
        %sub3A_351 = arith.subi %sub3A_177, %mul3A_350 : i32
        %lt3A = vector.broadcast %sub3A_351 : i32 to vector<16xi32>
        %lt3A_352 = arith.cmpi slt, %iota3A, %lt3A : vector<16xi32>
        %get3A_353 = arith.index_cast %add3A_348 : i32 to index
        %get3A_354 = tpu.vector_load %arg8[%get3A_353] {strides = array<i32>} : memref<21552xi32, #tpu.memory_space<vmem>>, vector<16xi32>,
        %select_n3A_355 = arith.select %lt3A_352, %get3A_354, %broadcast_in_dim3A_2 : vector<16xi1>, vector<16xi32>
        %unique3A, %unique3A_356 = tpu.scan_count mask(%lt3A_352 : vector<16xi1>) value(%select_n3A_355 : vector<16xi32>) : vector<16xi1>, vector<16xi32>
        %and3A_357 = arith.andi %unique3A, %lt3A_352 : vector<16xi1>
        %gather3A = tpu.vector_load_idx %arg5[%select_n3A_355] masked %and3A_357 : memref<21520xi32, #tpu.memory_space<vmem>>[vector<16xi32>], vector<16xi32>, vector<16xi1>
        %ne3A_358 = vector.broadcast %add3A_204 : i32 to vector<16xi32>
        %ne3A_359 = arith.cmpi ne, %gather3A, %ne3A_358 : vector<16xi32>
        %and3A_360 = arith.andi %ne3A_359, %and3A_357 : vector<16xi1>
        %broadcast_in_dim3A_361 = vector.broadcast %add3A_204 : i32 to vector<16xi32>
        tpu.vector_store_idx %arg5[%select_n3A_355], %broadcast_in_dim3A_361 masked %and3A_360 : memref<21520xi32, #tpu.memory_space<vmem>>[vector<16xi32>], vector<16xi32>, vector<16xi1>
        tpu.vector_store_idx %arg7[%select_n3A_355], %broadcast_in_dim3A_0 masked %and3A_360 : memref<21520xf32, #tpu.memory_space<vmem>>[vector<16xi32>], vector<16xf32>, vector<16xi1>
        %add3A_362 = vector.broadcast %add3A_348 : i32 to vector<16xi32>
        %add3A_363 = arith.addi %add3A_362, %iota3A : vector<16xi32>
        tpu.vector_store_idx %arg6[%select_n3A_355], %add3A_363 masked %and3A_357 : memref<21520xi32, #tpu.memory_space<vmem>>[vector<16xi32>], vector<16xi32>, vector<16xi1>
        %while3A_364 = arith.constant 0 : i32
        scf.yield %while3A_364 : i32
      }
      %while3A_215 = arith.constant 1 : i32
      %while3A_216 = scf.for %while3A_344 = %while3A_212 to %while3A_208 step %while3A_215 iter_args(%while3A_345 = %while3A_214) -> (i32)  : i32 {
        %mul3A_346 = arith.constant 16 : i32
        %mul3A_347 = arith.muli %while3A_344, %mul3A_346 : i32
        %add3A_348 = arith.addi %convert_element_type3A, %mul3A_347 : i32
        %mul3A_349 = arith.constant 16 : i32
        %mul3A_350 = arith.muli %while3A_344, %mul3A_349 : i32
        %sub3A_351 = arith.subi %sub3A_177, %mul3A_350 : i32
        %lt3A = vector.broadcast %sub3A_351 : i32 to vector<16xi32>
        %lt3A_352 = arith.cmpi slt, %iota3A, %lt3A : vector<16xi32>
        %get3A_353 = arith.index_cast %add3A_348 : i32 to index
        %get3A_354 = tpu.vector_load %arg8[%get3A_353] {strides = array<i32>} : memref<21552xi32, #tpu.memory_space<vmem>>, vector<16xi32>,
        %select_n3A_355 = arith.select %lt3A_352, %get3A_354, %broadcast_in_dim3A_2 : vector<16xi1>, vector<16xi32>
        %unique3A, %unique3A_356 = tpu.scan_count mask(%lt3A_352 : vector<16xi1>) value(%select_n3A_355 : vector<16xi32>) : vector<16xi1>, vector<16xi32>
        %and3A_357 = arith.andi %unique3A, %lt3A_352 : vector<16xi1>
        %gather3A = tpu.vector_load_idx %arg5[%select_n3A_355] masked %and3A_357 : memref<21520xi32, #tpu.memory_space<vmem>>[vector<16xi32>], vector<16xi32>, vector<16xi1>
        %ne3A_358 = vector.broadcast %add3A_204 : i32 to vector<16xi32>
        %ne3A_359 = arith.cmpi ne, %gather3A, %ne3A_358 : vector<16xi32>
        %and3A_360 = arith.andi %ne3A_359, %and3A_357 : vector<16xi1>
        %broadcast_in_dim3A_361 = vector.broadcast %add3A_204 : i32 to vector<16xi32>
        tpu.vector_store_idx %arg5[%select_n3A_355], %broadcast_in_dim3A_361 masked %and3A_360 : memref<21520xi32, #tpu.memory_space<vmem>>[vector<16xi32>], vector<16xi32>, vector<16xi1>
        tpu.vector_store_idx %arg7[%select_n3A_355], %broadcast_in_dim3A_0 masked %and3A_360 : memref<21520xf32, #tpu.memory_space<vmem>>[vector<16xi32>], vector<16xf32>, vector<16xi1>
        %add3A_362 = vector.broadcast %add3A_348 : i32 to vector<16xi32>
        %add3A_363 = arith.addi %add3A_362, %iota3A : vector<16xi32>
        tpu.vector_store_idx %arg6[%select_n3A_355], %add3A_363 masked %and3A_357 : memref<21520xi32, #tpu.memory_space<vmem>>[vector<16xi32>], vector<16xi32>, vector<16xi1>
        %while3A_364 = arith.constant 0 : i32
        scf.yield %while3A_364 : i32
      }
      %while3A_217 = arith.constant 0 : i32
      %while3A_218 = arith.constant 0 : i32
      %while3A_219 = arith.subi %select_n3A_203, %while3A_217 : i32
      %while3A_220 = arith.addi %while3A_217, %while3A_219 : i32
      %while3A_221 = arith.constant 1 : i32
      %while3A_222 = arith.divsi %while3A_219, %while3A_221 : i32
      %while3A_223 = arith.muli %while3A_222, %while3A_221 : i32
      %while3A_224 = arith.addi %while3A_217, %while3A_223 : i32
      %while3A_225 = arith.constant 1 : i32
      %while3A_226 = scf.for %while3A_344 = %while3A_217 to %while3A_224 step %while3A_225 iter_args(%while3A_345 = %while3A_218) -> (i32)  : i32 {
        %mul3A_346 = arith.constant 16 : i32
        %mul3A_347 = arith.muli %while3A_344, %mul3A_346 : i32
        %add3A_348 = arith.addi %convert_element_type3A, %mul3A_347 : i32
        %mul3A_349 = arith.constant 16 : i32
        %mul3A_350 = arith.muli %while3A_344, %mul3A_349 : i32
        %sub3A_351 = arith.subi %sub3A_177, %mul3A_350 : i32
        %lt3A = vector.broadcast %sub3A_351 : i32 to vector<16xi32>
        %lt3A_352 = arith.cmpi slt, %iota3A, %lt3A : vector<16xi32>
        %get3A_353 = arith.index_cast %add3A_348 : i32 to index
        %get3A_354 = tpu.vector_load %arg8[%get3A_353] {strides = array<i32>} : memref<21552xi32, #tpu.memory_space<vmem>>, vector<16xi32>,
        %select_n3A_355 = arith.select %lt3A_352, %get3A_354, %broadcast_in_dim3A_2 : vector<16xi1>, vector<16xi32>
        %get3A_356 = arith.index_cast %add3A_348 : i32 to index
        %get3A_357 = tpu.vector_load %arg9[%get3A_356] {strides = array<i32>} : memref<21552xf32, #tpu.memory_space<vmem>>, vector<16xf32>,
        %select_n3A_358 = arith.select %lt3A_352, %get3A_357, %broadcast_in_dim3A_0 : vector<16xi1>, vector<16xf32>
        %masked_sort3A = arith.constant -2147483648 : i32
        %masked_sort3A_359 = vector.broadcast %masked_sort3A : i32 to vector<16xi32>
        %masked_sort3A_360 = arith.xori %select_n3A_355, %masked_sort3A_359 : vector<16xi32>
        %masked_sort3A_361, %masked_sort3A_362, %masked_sort3A_363 = tpu.sort %masked_sort3A_360, %select_n3A_358 masked %lt3A_352 : (vector<16xi32>, vector<16xf32>, vector<16xi1>) -> (vector<16xi1>, vector<16xi32>, vector<16xf32>)
        %masked_sort3A_364 = arith.xori %masked_sort3A_362, %masked_sort3A_359 : vector<16xi32>
        %select_n3A_365 = arith.select %masked_sort3A_361, %masked_sort3A_363, %broadcast_in_dim3A_0 : vector<16xi1>, vector<16xf32>
        %broadcast_in_dim3A_366 = arith.constant true
        %broadcast_in_dim3A_367 = vector.broadcast %broadcast_in_dim3A_366 : i1 to vector<16xi1>
        %masked_cumsum3A = tpu.scan <sum>, %select_n3A_365 masked %broadcast_in_dim3A_367 : vector<16xf32>, vector<16xi1> -> vector<16xf32>
        %unique3A, %unique3A_368 = tpu.scan_count mask(%masked_sort3A_361 : vector<16xi1>) value(%masked_sort3A_364 : vector<16xi32>) : vector<16xi1>, vector<16xi32>
        %and3A_369 = arith.andi %unique3A, %masked_sort3A_361 : vector<16xi1>
        %swap3A_370 = arith.constant 320 : index
        %swap3A_371 = tpu.vector_load %arg14[%swap3A_370] {strides = array<i32>} : memref<336xf32, #tpu.memory_space<vmem>>, vector<16xf32>,
        tpu.vector_store %arg14[%swap3A_370], %masked_cumsum3A {strides = array<i32>} : memref<336xf32, #tpu.memory_space<vmem>>, vector<16xf32>,
        %sub3A_372 = arith.subi %iota3A, %unique3A_368 : vector<16xi32>
        %max3A_373 = arith.constant 0 : i32
        %max3A_374 = vector.broadcast %max3A_373 : i32 to vector<16xi32>
        %max3A_375 = arith.maxsi %sub3A_372, %max3A_374 : vector<16xi32>
        %add3A_376 = arith.constant 320 : i32
        %add3A_377 = vector.broadcast %add3A_376 : i32 to vector<16xi32>
        %add3A_378 = arith.addi %max3A_375, %add3A_377 : vector<16xi32>
        %gather3A = tpu.vector_load_idx %arg14[%add3A_378] : memref<336xf32, #tpu.memory_space<vmem>>[vector<16xi32>], vector<16xf32>,
        %ge3A = arith.constant 0 : i32
        %ge3A_379 = vector.broadcast %ge3A : i32 to vector<16xi32>
        %ge3A_380 = arith.cmpi sge, %sub3A_372, %ge3A_379 : vector<16xi32>
        %select_n3A_381 = arith.select %ge3A_380, %gather3A, %broadcast_in_dim3A_0 : vector<16xi1>, vector<16xf32>
        %sub3A_382 = arith.subf %masked_cumsum3A, %select_n3A_381 : vector<16xf32>
        %jit3A_383 = arith.constant 0 : i32
        %broadcast_in_dim3A_384 = vector.broadcast %jit3A_383 : i32 to vector<16xi32>
        %select_n3A_385 = arith.select %masked_sort3A_361, %masked_sort3A_364, %broadcast_in_dim3A_384 : vector<16xi1>, vector<16xi32>
        tpu.vector_store_idx %arg7[%select_n3A_385], %sub3A_382 masked %and3A_369 {add = true} : memref<21520xf32, #tpu.memory_space<vmem>>[vector<16xi32>], vector<16xf32>, vector<16xi1>
        %while3A_386 = arith.constant 0 : i32
        scf.yield %while3A_386 : i32
      }
      %while3A_227 = arith.constant 1 : i32
      %while3A_228 = scf.for %while3A_344 = %while3A_224 to %while3A_220 step %while3A_227 iter_args(%while3A_345 = %while3A_226) -> (i32)  : i32 {
        %mul3A_346 = arith.constant 16 : i32
        %mul3A_347 = arith.muli %while3A_344, %mul3A_346 : i32
        %add3A_348 = arith.addi %convert_element_type3A, %mul3A_347 : i32
        %mul3A_349 = arith.constant 16 : i32
        %mul3A_350 = arith.muli %while3A_344, %mul3A_349 : i32
        %sub3A_351 = arith.subi %sub3A_177, %mul3A_350 : i32
        %lt3A = vector.broadcast %sub3A_351 : i32 to vector<16xi32>
        %lt3A_352 = arith.cmpi slt, %iota3A, %lt3A : vector<16xi32>
        %get3A_353 = arith.index_cast %add3A_348 : i32 to index
        %get3A_354 = tpu.vector_load %arg8[%get3A_353] {strides = array<i32>} : memref<21552xi32, #tpu.memory_space<vmem>>, vector<16xi32>,
        %select_n3A_355 = arith.select %lt3A_352, %get3A_354, %broadcast_in_dim3A_2 : vector<16xi1>, vector<16xi32>
        %get3A_356 = arith.index_cast %add3A_348 : i32 to index
        %get3A_357 = tpu.vector_load %arg9[%get3A_356] {strides = array<i32>} : memref<21552xf32, #tpu.memory_space<vmem>>, vector<16xf32>,
        %select_n3A_358 = arith.select %lt3A_352, %get3A_357, %broadcast_in_dim3A_0 : vector<16xi1>, vector<16xf32>
        %masked_sort3A = arith.constant -2147483648 : i32
        %masked_sort3A_359 = vector.broadcast %masked_sort3A : i32 to vector<16xi32>
        %masked_sort3A_360 = arith.xori %select_n3A_355, %masked_sort3A_359 : vector<16xi32>
        %masked_sort3A_361, %masked_sort3A_362, %masked_sort3A_363 = tpu.sort %masked_sort3A_360, %select_n3A_358 masked %lt3A_352 : (vector<16xi32>, vector<16xf32>, vector<16xi1>) -> (vector<16xi1>, vector<16xi32>, vector<16xf32>)
        %masked_sort3A_364 = arith.xori %masked_sort3A_362, %masked_sort3A_359 : vector<16xi32>
        %select_n3A_365 = arith.select %masked_sort3A_361, %masked_sort3A_363, %broadcast_in_dim3A_0 : vector<16xi1>, vector<16xf32>
        %broadcast_in_dim3A_366 = arith.constant true
        %broadcast_in_dim3A_367 = vector.broadcast %broadcast_in_dim3A_366 : i1 to vector<16xi1>
        %masked_cumsum3A = tpu.scan <sum>, %select_n3A_365 masked %broadcast_in_dim3A_367 : vector<16xf32>, vector<16xi1> -> vector<16xf32>
        %unique3A, %unique3A_368 = tpu.scan_count mask(%masked_sort3A_361 : vector<16xi1>) value(%masked_sort3A_364 : vector<16xi32>) : vector<16xi1>, vector<16xi32>
        %and3A_369 = arith.andi %unique3A, %masked_sort3A_361 : vector<16xi1>
        %swap3A_370 = arith.constant 320 : index
        %swap3A_371 = tpu.vector_load %arg14[%swap3A_370] {strides = array<i32>} : memref<336xf32, #tpu.memory_space<vmem>>, vector<16xf32>,
        tpu.vector_store %arg14[%swap3A_370], %masked_cumsum3A {strides = array<i32>} : memref<336xf32, #tpu.memory_space<vmem>>, vector<16xf32>,
        %sub3A_372 = arith.subi %iota3A, %unique3A_368 : vector<16xi32>
        %max3A_373 = arith.constant 0 : i32
        %max3A_374 = vector.broadcast %max3A_373 : i32 to vector<16xi32>
        %max3A_375 = arith.maxsi %sub3A_372, %max3A_374 : vector<16xi32>
        %add3A_376 = arith.constant 320 : i32
        %add3A_377 = vector.broadcast %add3A_376 : i32 to vector<16xi32>
        %add3A_378 = arith.addi %max3A_375, %add3A_377 : vector<16xi32>
        %gather3A = tpu.vector_load_idx %arg14[%add3A_378] : memref<336xf32, #tpu.memory_space<vmem>>[vector<16xi32>], vector<16xf32>,
        %ge3A = arith.constant 0 : i32
        %ge3A_379 = vector.broadcast %ge3A : i32 to vector<16xi32>
        %ge3A_380 = arith.cmpi sge, %sub3A_372, %ge3A_379 : vector<16xi32>
        %select_n3A_381 = arith.select %ge3A_380, %gather3A, %broadcast_in_dim3A_0 : vector<16xi1>, vector<16xf32>
        %sub3A_382 = arith.subf %masked_cumsum3A, %select_n3A_381 : vector<16xf32>
        %jit3A_383 = arith.constant 0 : i32
        %broadcast_in_dim3A_384 = vector.broadcast %jit3A_383 : i32 to vector<16xi32>
        %select_n3A_385 = arith.select %masked_sort3A_361, %masked_sort3A_364, %broadcast_in_dim3A_384 : vector<16xi1>, vector<16xi32>
        tpu.vector_store_idx %arg7[%select_n3A_385], %sub3A_382 masked %and3A_369 {add = true} : memref<21520xf32, #tpu.memory_space<vmem>>[vector<16xi32>], vector<16xf32>, vector<16xi1>
        %while3A_386 = arith.constant 0 : i32
        scf.yield %while3A_386 : i32
      }
      %broadcast_in_dim3A_229 = arith.constant 0xFF800000 : f32
      %broadcast_in_dim3A_230 = vector.broadcast %broadcast_in_dim3A_229 : f32 to vector<16xf32>
      %broadcast_in_dim3A_231 = arith.constant 0x7F800000 : f32
      %broadcast_in_dim3A_232 = vector.broadcast %broadcast_in_dim3A_231 : f32 to vector<16xf32>
      %while3A_233 = arith.constant 0 : i32
      %while3A_234 = arith.subi %select_n3A_203, %while3A_233 : i32
      %while3A_235 = arith.addi %while3A_233, %while3A_234 : i32
      %while3A_236 = arith.constant 1 : i32
      %while3A_237 = arith.divsi %while3A_234, %while3A_236 : i32
      %while3A_238 = arith.muli %while3A_237, %while3A_236 : i32
      %while3A_239 = arith.addi %while3A_233, %while3A_238 : i32
      %while3A_240 = arith.constant 1 : i32
      %while3A_241:4 = scf.for %while3A_344 = %while3A_233 to %while3A_239 step %while3A_240 iter_args(%while3A_345 = %broadcast_in_dim3A_230, %while3A_346 = %broadcast_in_dim3A_232, %while3A_347 = %broadcast_in_dim3A_0, %while3A_348 = %broadcast_in_dim3A_0) -> (vector<16xf32>, vector<16xf32>, vector<16xf32>, vector<16xf32>)  : i32 {
        %mul3A_349 = arith.constant 16 : i32
        %mul3A_350 = arith.muli %while3A_344, %mul3A_349 : i32
        %add3A_351 = arith.addi %convert_element_type3A, %mul3A_350 : i32
        %mul3A_352 = arith.constant 16 : i32
        %mul3A_353 = arith.muli %while3A_344, %mul3A_352 : i32
        %sub3A_354 = arith.subi %sub3A_177, %mul3A_353 : i32
        %lt3A = vector.broadcast %sub3A_354 : i32 to vector<16xi32>
        %lt3A_355 = arith.cmpi slt, %iota3A, %lt3A : vector<16xi32>
        %get3A_356 = arith.index_cast %add3A_351 : i32 to index
        %get3A_357 = tpu.vector_load %arg8[%get3A_356] {strides = array<i32>} : memref<21552xi32, #tpu.memory_space<vmem>>, vector<16xi32>,
        %select_n3A_358 = arith.select %lt3A_355, %get3A_357, %broadcast_in_dim3A_2 : vector<16xi1>, vector<16xi32>
        %gather3A = tpu.vector_load_idx %arg7[%select_n3A_358] masked %lt3A_355 : memref<21520xf32, #tpu.memory_space<vmem>>[vector<16xi32>], vector<16xf32>, vector<16xi1>
        %gather3A_359 = tpu.vector_load_idx %arg6[%select_n3A_358] masked %lt3A_355 : memref<21520xi32, #tpu.memory_space<vmem>>[vector<16xi32>], vector<16xi32>, vector<16xi1>
        %add3A_360 = vector.broadcast %add3A_351 : i32 to vector<16xi32>
        %add3A_361 = arith.addi %add3A_360, %iota3A : vector<16xi32>
        %eq3A_362 = arith.cmpi eq, %gather3A_359, %add3A_361 : vector<16xi32>
        %and3A_363 = arith.andi %eq3A_362, %lt3A_355 : vector<16xi1>
        %max3A_364 = arith.maximumf %while3A_345, %gather3A : vector<16xf32>
        %select_n3A_365 = arith.select %and3A_363, %max3A_364, %while3A_345 : vector<16xi1>, vector<16xf32>
        %min3A_366 = arith.minimumf %while3A_346, %gather3A : vector<16xf32>
        %select_n3A_367 = arith.select %and3A_363, %min3A_366, %while3A_346 : vector<16xi1>, vector<16xf32>
        %broadcast_in_dim3A_368 = arith.constant 1.000000e+00 : f32
        %broadcast_in_dim3A_369 = vector.broadcast %broadcast_in_dim3A_368 : f32 to vector<16xf32>
        %select_n3A_370 = arith.select %and3A_363, %broadcast_in_dim3A_369, %broadcast_in_dim3A_0 : vector<16xi1>, vector<16xf32>
        %add3A_371 = arith.addf %while3A_347, %select_n3A_370 : vector<16xf32>
        %select_n3A_372 = arith.select %and3A_363, %gather3A, %broadcast_in_dim3A_0 : vector<16xi1>, vector<16xf32>
        %add3A_373 = arith.addf %while3A_348, %select_n3A_372 : vector<16xf32>
        scf.yield %select_n3A_365, %select_n3A_367, %add3A_371, %add3A_373 : vector<16xf32>, vector<16xf32>, vector<16xf32>, vector<16xf32>
      }
      %while3A_242 = arith.constant 1 : i32
      %while3A_243:4 = scf.for %while3A_344 = %while3A_239 to %while3A_235 step %while3A_242 iter_args(%while3A_345 = %while3A_241#0, %while3A_346 = %while3A_241#1, %while3A_347 = %while3A_241#2, %while3A_348 = %while3A_241#3) -> (vector<16xf32>, vector<16xf32>, vector<16xf32>, vector<16xf32>)  : i32 {
        %mul3A_349 = arith.constant 16 : i32
        %mul3A_350 = arith.muli %while3A_344, %mul3A_349 : i32
        %add3A_351 = arith.addi %convert_element_type3A, %mul3A_350 : i32
        %mul3A_352 = arith.constant 16 : i32
        %mul3A_353 = arith.muli %while3A_344, %mul3A_352 : i32
        %sub3A_354 = arith.subi %sub3A_177, %mul3A_353 : i32
        %lt3A = vector.broadcast %sub3A_354 : i32 to vector<16xi32>
        %lt3A_355 = arith.cmpi slt, %iota3A, %lt3A : vector<16xi32>
        %get3A_356 = arith.index_cast %add3A_351 : i32 to index
        %get3A_357 = tpu.vector_load %arg8[%get3A_356] {strides = array<i32>} : memref<21552xi32, #tpu.memory_space<vmem>>, vector<16xi32>,
        %select_n3A_358 = arith.select %lt3A_355, %get3A_357, %broadcast_in_dim3A_2 : vector<16xi1>, vector<16xi32>
        %gather3A = tpu.vector_load_idx %arg7[%select_n3A_358] masked %lt3A_355 : memref<21520xf32, #tpu.memory_space<vmem>>[vector<16xi32>], vector<16xf32>, vector<16xi1>
        %gather3A_359 = tpu.vector_load_idx %arg6[%select_n3A_358] masked %lt3A_355 : memref<21520xi32, #tpu.memory_space<vmem>>[vector<16xi32>], vector<16xi32>, vector<16xi1>
        %add3A_360 = vector.broadcast %add3A_351 : i32 to vector<16xi32>
        %add3A_361 = arith.addi %add3A_360, %iota3A : vector<16xi32>
        %eq3A_362 = arith.cmpi eq, %gather3A_359, %add3A_361 : vector<16xi32>
        %and3A_363 = arith.andi %eq3A_362, %lt3A_355 : vector<16xi1>
        %max3A_364 = arith.maximumf %while3A_345, %gather3A : vector<16xf32>
        %select_n3A_365 = arith.select %and3A_363, %max3A_364, %while3A_345 : vector<16xi1>, vector<16xf32>
        %min3A_366 = arith.minimumf %while3A_346, %gather3A : vector<16xf32>
        %select_n3A_367 = arith.select %and3A_363, %min3A_366, %while3A_346 : vector<16xi1>, vector<16xf32>
        %broadcast_in_dim3A_368 = arith.constant 1.000000e+00 : f32
        %broadcast_in_dim3A_369 = vector.broadcast %broadcast_in_dim3A_368 : f32 to vector<16xf32>
        %select_n3A_370 = arith.select %and3A_363, %broadcast_in_dim3A_369, %broadcast_in_dim3A_0 : vector<16xi1>, vector<16xf32>
        %add3A_371 = arith.addf %while3A_347, %select_n3A_370 : vector<16xf32>
        %select_n3A_372 = arith.select %and3A_363, %gather3A, %broadcast_in_dim3A_0 : vector<16xi1>, vector<16xf32>
        %add3A_373 = arith.addf %while3A_348, %select_n3A_372 : vector<16xf32>
        scf.yield %select_n3A_365, %select_n3A_367, %add3A_371, %add3A_373 : vector<16xf32>, vector<16xf32>, vector<16xf32>, vector<16xf32>
      }
      %reduce_max3A = arith.constant true
      %reduce_max3A_244 = vector.broadcast %reduce_max3A : i1 to vector<16xi1>
      %reduce_max3A_245 = tpu.scan <max>, %while3A_243#0 masked %reduce_max3A_244 : vector<16xf32>, vector<16xi1> -> vector<16xf32>
      %reduce_max3A_246 = vector.extract %reduce_max3A_245[15] : f32 from vector<16xf32>
      %broadcast_in_dim3A_247 = vector.broadcast %reduce_max3A_246 : f32 to vector<16xf32>
      %reduce_min3A = arith.constant true
      %reduce_min3A_248 = vector.broadcast %reduce_min3A : i1 to vector<16xi1>
      %reduce_min3A_249 = tpu.scan <min>, %while3A_243#1 masked %reduce_min3A_248 : vector<16xf32>, vector<16xi1> -> vector<16xf32>
      %reduce_min3A_250 = vector.extract %reduce_min3A_249[15] : f32 from vector<16xf32>
      %broadcast_in_dim3A_251 = vector.broadcast %reduce_min3A_250 : f32 to vector<16xf32>
      %reduce_sum3A_252 = arith.constant true
      %reduce_sum3A_253 = vector.broadcast %reduce_sum3A_252 : i1 to vector<16xi1>
      %reduce_sum3A_254 = tpu.scan <sum>, %while3A_243#2 masked %reduce_sum3A_253 : vector<16xf32>, vector<16xi1> -> vector<16xf32>
      %reduce_sum3A_255 = vector.extract %reduce_sum3A_254[15] : f32 from vector<16xf32>
      %broadcast_in_dim3A_256 = vector.broadcast %reduce_sum3A_255 : f32 to vector<16xf32>
      %reduce_sum3A_257 = arith.constant true
      %reduce_sum3A_258 = vector.broadcast %reduce_sum3A_257 : i1 to vector<16xi1>
      %reduce_sum3A_259 = tpu.scan <sum>, %while3A_243#3 masked %reduce_sum3A_258 : vector<16xf32>, vector<16xi1> -> vector<16xf32>
      %reduce_sum3A_260 = vector.extract %reduce_sum3A_259[15] : f32 from vector<16xf32>
      %broadcast_in_dim3A_261 = vector.broadcast %reduce_sum3A_260 : f32 to vector<16xf32>
      %eq3A_262 = arith.constant 0.000000e+00 : f32
      %eq3A_263 = vector.broadcast %eq3A_262 : f32 to vector<16xf32>
      %eq3A_264 = arith.cmpf oeq, %broadcast_in_dim3A_256, %eq3A_263 : vector<16xf32>
      %jit3A_265 = arith.constant 0.000000e+00 : f32
      %broadcast_in_dim3A_266 = vector.broadcast %jit3A_265 : f32 to vector<16xf32>
      %select_n3A_267 = arith.select %eq3A_264, %broadcast_in_dim3A_266, %broadcast_in_dim3A_247 : vector<16xi1>, vector<16xf32>
      %jit3A_268 = arith.constant 0.000000e+00 : f32
      %broadcast_in_dim3A_269 = vector.broadcast %jit3A_268 : f32 to vector<16xf32>
      %select_n3A_270 = arith.select %eq3A_264, %broadcast_in_dim3A_269, %broadcast_in_dim3A_251 : vector<16xi1>, vector<16xf32>
      %max3A = arith.constant 1.000000e+00 : f32
      %max3A_271 = vector.broadcast %max3A : f32 to vector<16xf32>
      %max3A_272 = arith.maximumf %broadcast_in_dim3A_256, %max3A_271 : vector<16xf32>
      %div3A_273 = arith.divf %broadcast_in_dim3A_261, %max3A_272 : vector<16xf32>
      %div3A_274 = arith.constant 1.000000e+00 : f32
      %div3A_275 = vector.broadcast %div3A_274 : f32 to vector<16xf32>
      %div3A_276 = arith.divf %div3A_275, %select_n3A_267 : vector<16xf32>
      %ne3A_277 = arith.cmpf one, %div3A_276, %div3A_276 : vector<16xf32>
      %jit3A_278 = arith.constant 1.000000e+00 : f32
      %broadcast_in_dim3A_279 = vector.broadcast %jit3A_278 : f32 to vector<16xf32>
      %select_n3A_280 = arith.select %ne3A_277, %broadcast_in_dim3A_279, %div3A_276 : vector<16xi1>, vector<16xf32>
      %eq3A_281 = arith.constant 0x7F800000 : f32
      %eq3A_282 = vector.broadcast %eq3A_281 : f32 to vector<16xf32>
      %eq3A_283 = arith.cmpf oeq, %select_n3A_280, %eq3A_282 : vector<16xf32>
      %jit3A_284 = arith.constant 1.000000e+00 : f32
      %broadcast_in_dim3A_285 = vector.broadcast %jit3A_284 : f32 to vector<16xf32>
      %select_n3A_286 = arith.select %eq3A_283, %broadcast_in_dim3A_285, %select_n3A_280 : vector<16xi1>, vector<16xf32>
      %mul3A_287 = vector.broadcast %reduce_sum3A_98 : f32 to vector<16xf32>
      %mul3A_288 = arith.mulf %mul3A_287, %select_n3A_286 : vector<16xf32>
      %div3A_289 = arith.constant 1.000000e+00 : f32
      %div3A_290 = vector.broadcast %div3A_289 : f32 to vector<16xf32>
      %div3A_291 = arith.divf %div3A_290, %div3A_273 : vector<16xf32>
      %ne3A_292 = arith.cmpf one, %div3A_291, %div3A_291 : vector<16xf32>
      %jit3A_293 = arith.constant 1.000000e+00 : f32
      %broadcast_in_dim3A_294 = vector.broadcast %jit3A_293 : f32 to vector<16xf32>
      %select_n3A_295 = arith.select %ne3A_292, %broadcast_in_dim3A_294, %div3A_291 : vector<16xi1>, vector<16xf32>
      %eq3A_296 = arith.constant 0x7F800000 : f32
      %eq3A_297 = vector.broadcast %eq3A_296 : f32 to vector<16xf32>
      %eq3A_298 = arith.cmpf oeq, %select_n3A_295, %eq3A_297 : vector<16xf32>
      %jit3A_299 = arith.constant 1.000000e+00 : f32
      %broadcast_in_dim3A_300 = vector.broadcast %jit3A_299 : f32 to vector<16xf32>
      %select_n3A_301 = arith.select %eq3A_298, %broadcast_in_dim3A_300, %select_n3A_295 : vector<16xi1>, vector<16xf32>
      %mul3A_302 = vector.broadcast %reduce_sum3A_109 : f32 to vector<16xf32>
      %mul3A_303 = arith.mulf %mul3A_302, %select_n3A_301 : vector<16xf32>
      %add3A_304 = arith.addf %mul3A_288, %mul3A_303 : vector<16xf32>
      %div3A_305 = arith.constant 1.000000e+00 : f32
      %div3A_306 = vector.broadcast %div3A_305 : f32 to vector<16xf32>
      %div3A_307 = arith.divf %div3A_306, %select_n3A_270 : vector<16xf32>
      %ne3A_308 = arith.cmpf one, %div3A_307, %div3A_307 : vector<16xf32>
      %jit3A_309 = arith.constant 1.000000e+00 : f32
      %broadcast_in_dim3A_310 = vector.broadcast %jit3A_309 : f32 to vector<16xf32>
      %select_n3A_311 = arith.select %ne3A_308, %broadcast_in_dim3A_310, %div3A_307 : vector<16xi1>, vector<16xf32>
      %eq3A_312 = arith.constant 0x7F800000 : f32
      %eq3A_313 = vector.broadcast %eq3A_312 : f32 to vector<16xf32>
      %eq3A_314 = arith.cmpf oeq, %select_n3A_311, %eq3A_313 : vector<16xf32>
      %jit3A_315 = arith.constant 1.000000e+00 : f32
      %broadcast_in_dim3A_316 = vector.broadcast %jit3A_315 : f32 to vector<16xf32>
      %select_n3A_317 = arith.select %eq3A_314, %broadcast_in_dim3A_316, %select_n3A_311 : vector<16xi1>, vector<16xf32>
      %mul3A_318 = vector.broadcast %reduce_sum3A_120 : f32 to vector<16xf32>
      %mul3A_319 = arith.mulf %mul3A_318, %select_n3A_317 : vector<16xf32>
      %add3A_320 = arith.addf %add3A_304, %mul3A_319 : vector<16xf32>
      %div3A_321 = arith.constant 1.000000e+00 : f32
      %div3A_322 = vector.broadcast %div3A_321 : f32 to vector<16xf32>
      %div3A_323 = arith.divf %div3A_322, %broadcast_in_dim3A_261 : vector<16xf32>
      %ne3A_324 = arith.cmpf one, %div3A_323, %div3A_323 : vector<16xf32>
      %jit3A_325 = arith.constant 1.000000e+00 : f32
      %broadcast_in_dim3A_326 = vector.broadcast %jit3A_325 : f32 to vector<16xf32>
      %select_n3A_327 = arith.select %ne3A_324, %broadcast_in_dim3A_326, %div3A_323 : vector<16xi1>, vector<16xf32>
      %eq3A_328 = arith.constant 0x7F800000 : f32
      %eq3A_329 = vector.broadcast %eq3A_328 : f32 to vector<16xf32>
      %eq3A_330 = arith.cmpf oeq, %select_n3A_327, %eq3A_329 : vector<16xf32>
      %jit3A_331 = arith.constant 1.000000e+00 : f32
      %broadcast_in_dim3A_332 = vector.broadcast %jit3A_331 : f32 to vector<16xf32>
      %select_n3A_333 = arith.select %eq3A_330, %broadcast_in_dim3A_332, %select_n3A_327 : vector<16xi1>, vector<16xf32>
      %mul3A_334 = vector.broadcast %reduce_sum3A_131 : f32 to vector<16xf32>
      %mul3A_335 = arith.mulf %mul3A_334, %select_n3A_333 : vector<16xf32>
      %add3A_336 = arith.addf %add3A_320, %mul3A_335 : vector<16xf32>
      %add3A_337 = vector.broadcast %reduce_sum3A_142 : f32 to vector<16xf32>
      %add3A_338 = arith.addf %add3A_336, %add3A_337 : vector<16xf32>
      %broadcast_in_dim3A_339 = vector.broadcast %scan3A_150 : i32 to vector<16xi32>
      %eq3A_340 = arith.constant 0 : i32
      %eq3A_341 = vector.broadcast %eq3A_340 : i32 to vector<16xi32>
      %eq3A_342 = arith.cmpi eq, %iota3A, %eq3A_341 : vector<16xi32>
      tpu.vector_store_idx %arg14[%broadcast_in_dim3A_339], %add3A_338 masked %eq3A_342 : memref<336xf32, #tpu.memory_space<vmem>>[vector<16xi32>], vector<16xf32>, vector<16xi1>
      %scan3A_343 = arith.constant 0 : i32
      scf.yield %scan3A_343 : i32
    }
    %scan3A_149 = arith.constant 320 : i32
    "tpu.region"() ({
      %run_scoped3A = tpu.sem_alloc : memref<!tpu.dma_semaphore, #tpu.memory_space<semaphore_mem>>
      %dma_start3A_150 = arith.constant 0 : i32
      %dma_start3A_151 = tpu.memref_slice %arg14[%dma_start3A_150] : memref<336xf32, #tpu.memory_space<vmem>> -> memref<320xf32, #tpu.memory_space<vmem>>
      %dma_start3A_152 = tpu.memref_slice %arg4[%mul3A_5] : memref<10240xf32, #tpu.memory_space<hbm>> -> memref<320xf32, #tpu.memory_space<hbm>>
      %dma_start3A_153 = tpu.memref_slice %arg4[%mul3A_5] : memref<10240xf32, #tpu.memory_space<hbm>> -> memref<320xf32, #tpu.memory_space<hbm>>
      %dma_start3A_154 = arith.constant 0 : i32
      %dma_start3A_155 = tpu.memref_slice %arg14[%dma_start3A_154] : memref<336xf32, #tpu.memory_space<vmem>> -> memref<320xf32, #tpu.memory_space<vmem>>
      tpu.enqueue_dma source(%dma_start3A_155 : memref<320xf32, #tpu.memory_space<vmem>>) target(%dma_start3A_153 : memref<320xf32, #tpu.memory_space<hbm>>) target_semaphore(%run_scoped3A : memref<!tpu.dma_semaphore, #tpu.memory_space<semaphore_mem>>)
      %dma_wait3A = arith.constant 0 : i32
      %dma_wait3A_156 = tpu.memref_slice %arg14[%dma_wait3A] : memref<336xf32, #tpu.memory_space<vmem>> -> memref<320xf32, #tpu.memory_space<vmem>>
      %dma_wait3A_157 = tpu.memref_slice %arg4[%mul3A_5] : memref<10240xf32, #tpu.memory_space<hbm>> -> memref<320xf32, #tpu.memory_space<hbm>>
      %dma_wait3A_158 = tpu.memref_slice %arg4[%mul3A_5] : memref<10240xf32, #tpu.memory_space<hbm>> -> memref<320xf32, #tpu.memory_space<hbm>>
      %dma_wait3A_159 = arith.constant 0 : i32
      %dma_wait3A_160 = tpu.memref_slice %arg14[%dma_wait3A_159] : memref<336xf32, #tpu.memory_space<vmem>> -> memref<320xf32, #tpu.memory_space<vmem>>
      tpu.wait_dma2 semaphore(%run_scoped3A : memref<!tpu.dma_semaphore, #tpu.memory_space<semaphore_mem>>) src(%dma_wait3A_160 : memref<320xf32, #tpu.memory_space<vmem>>) dst(%dma_wait3A_158 : memref<320xf32, #tpu.memory_space<hbm>>)
      tpu.yield
    }) : () -> ()
    return
  }
}

#map = affine_map<(d0, d1) -> (0)>
module attributes {stable_mosaic.version = 14 : i64} {
  func.func @_final_body(%arg0: i32, %arg1: i32, %arg2: memref<320000xi32, #tpu.memory_space<hbm>>, %arg3: memref<320000xf32, #tpu.memory_space<hbm>>, %arg4: memref<10240xf32, #tpu.memory_space<hbm>>, %arg5: memref<16xf32, #tpu.memory_space<hbm>>, %arg6: memref<320000xf32, #tpu.memory_space<hbm>>, %arg7: memref<10240xf32, #tpu.memory_space<vmem>>, %arg8: memref<2000xi32, #tpu.memory_space<vmem>>, %arg9: memref<2000xf32, #tpu.memory_space<vmem>>, %arg10: memref<2000xf32, #tpu.memory_space<vmem>>, %arg11: memref<16xf32, #tpu.memory_space<vmem>>) attributes {dimension_semantics = [#tpu.dimension_semantics<core_parallel>, #tpu.dimension_semantics<subcore_parallel>], iteration_bounds = array<i64: 2, 16>, scalar_prefetch = 0 : i64, scratch_operands = 5 : i64, tpu.core_type = #tpu.core_type<sc_vector_subcore>, window_params = [{transform_indices = #map}, {transform_indices = #map}, {transform_indices = #map}, {transform_indices = #map}, {transform_indices = #map}]} {
    %iota3A = tpu.iota {dimensions = array<i32: 0>} : vector<16xi32>
    %mul3A = arith.constant 2 : i32
    %mul3A_0 = arith.muli %arg1, %mul3A : i32
    %add3A = arith.addi %mul3A_0, %arg0 : i32
    %mul3A_1 = arith.constant 10000 : i32
    %mul3A_2 = arith.muli %add3A, %mul3A_1 : i32
    "tpu.region"() ({
      %run_scoped3A = tpu.sem_alloc : memref<!tpu.dma_semaphore, #tpu.memory_space<semaphore_mem>>
      tpu.enqueue_dma source(%arg5 : memref<16xf32, #tpu.memory_space<hbm>>) target(%arg11 : memref<16xf32, #tpu.memory_space<vmem>>) target_semaphore(%run_scoped3A : memref<!tpu.dma_semaphore, #tpu.memory_space<semaphore_mem>>)
      tpu.wait_dma2 semaphore(%run_scoped3A : memref<!tpu.dma_semaphore, #tpu.memory_space<semaphore_mem>>) src(%arg5 : memref<16xf32, #tpu.memory_space<hbm>>) dst(%arg11 : memref<16xf32, #tpu.memory_space<vmem>>)
      tpu.yield
    }) : () -> ()
    %get3A = arith.constant 0 : index
    %get3A_3 = tpu.vector_load %arg11[%get3A] {strides = array<i32>} : memref<16xf32, #tpu.memory_space<vmem>>, vector<16xf32>,
    %iota3A_4 = tpu.iota {dimensions = array<i32: 0>} : vector<16xi32>
    %broadcast_in_dim3A = arith.constant 0.000000e+00 : f32
    %broadcast_in_dim3A_5 = vector.broadcast %broadcast_in_dim3A : f32 to vector<16xf32>
    %eq3A = arith.constant 5 : i32
    %eq3A_6 = vector.broadcast %eq3A : i32 to vector<16xi32>
    %eq3A_7 = arith.cmpi eq, %iota3A_4, %eq3A_6 : vector<16xi32>
    %select_n3A = arith.select %eq3A_7, %get3A_3, %broadcast_in_dim3A_5 : vector<16xi1>, vector<16xf32>
    %reduce_sum3A = arith.constant true
    %reduce_sum3A_8 = vector.broadcast %reduce_sum3A : i1 to vector<16xi1>
    %reduce_sum3A_9 = tpu.scan <sum>, %select_n3A masked %reduce_sum3A_8 : vector<16xf32>, vector<16xi1> -> vector<16xf32>
    %reduce_sum3A_10 = vector.extract %reduce_sum3A_9[15] : f32 from vector<16xf32>
    %iota3A_11 = tpu.iota {dimensions = array<i32: 0>} : vector<16xi32>
    %broadcast_in_dim3A_12 = arith.constant 0.000000e+00 : f32
    %broadcast_in_dim3A_13 = vector.broadcast %broadcast_in_dim3A_12 : f32 to vector<16xf32>
    %eq3A_14 = arith.constant 6 : i32
    %eq3A_15 = vector.broadcast %eq3A_14 : i32 to vector<16xi32>
    %eq3A_16 = arith.cmpi eq, %iota3A_11, %eq3A_15 : vector<16xi32>
    %select_n3A_17 = arith.select %eq3A_16, %get3A_3, %broadcast_in_dim3A_13 : vector<16xi1>, vector<16xf32>
    %reduce_sum3A_18 = arith.constant true
    %reduce_sum3A_19 = vector.broadcast %reduce_sum3A_18 : i1 to vector<16xi1>
    %reduce_sum3A_20 = tpu.scan <sum>, %select_n3A_17 masked %reduce_sum3A_19 : vector<16xf32>, vector<16xi1> -> vector<16xf32>
    %reduce_sum3A_21 = vector.extract %reduce_sum3A_20[15] : f32 from vector<16xf32>
    "tpu.region"() ({
      %run_scoped3A = tpu.sem_alloc : memref<!tpu.dma_semaphore, #tpu.memory_space<semaphore_mem>>
      tpu.enqueue_dma source(%arg4 : memref<10240xf32, #tpu.memory_space<hbm>>) target(%arg7 : memref<10240xf32, #tpu.memory_space<vmem>>) target_semaphore(%run_scoped3A : memref<!tpu.dma_semaphore, #tpu.memory_space<semaphore_mem>>)
      tpu.wait_dma2 semaphore(%run_scoped3A : memref<!tpu.dma_semaphore, #tpu.memory_space<semaphore_mem>>) src(%arg4 : memref<10240xf32, #tpu.memory_space<hbm>>) dst(%arg7 : memref<10240xf32, #tpu.memory_space<vmem>>)
      tpu.yield
    }) : () -> ()
    %scan3A = arith.constant 0 : i32
    %scan3A_22 = arith.constant 0 : i32
    %scan3A_23 = arith.constant 5 : i32
    %scan3A_24 = arith.addi %scan3A_22, %scan3A_23 : i32
    %scan3A_25 = arith.constant 1 : i32
    %scan3A_26 = scf.for %scan3A_28 = %scan3A_22 to %scan3A_24 step %scan3A_25 iter_args(%scan3A_29 = %scan3A) -> (i32)  : i32 {
      %mul3A_30 = arith.constant 2000 : i32
      %mul3A_31 = arith.muli %scan3A_28, %mul3A_30 : i32
      %add3A_32 = arith.addi %mul3A_2, %mul3A_31 : i32
      "tpu.region"() ({
        %run_scoped3A = tpu.sem_alloc : memref<!tpu.dma_semaphore, #tpu.memory_space<semaphore_mem>>
        %dma_start3A = tpu.memref_slice %arg2[%add3A_32] : memref<320000xi32, #tpu.memory_space<hbm>> -> memref<2000xi32, #tpu.memory_space<hbm>>
        %dma_start3A_41 = tpu.memref_slice %arg2[%add3A_32] : memref<320000xi32, #tpu.memory_space<hbm>> -> memref<2000xi32, #tpu.memory_space<hbm>>
        tpu.enqueue_dma source(%dma_start3A_41 : memref<2000xi32, #tpu.memory_space<hbm>>) target(%arg8 : memref<2000xi32, #tpu.memory_space<vmem>>) target_semaphore(%run_scoped3A : memref<!tpu.dma_semaphore, #tpu.memory_space<semaphore_mem>>)
        %dma_wait3A = tpu.memref_slice %arg2[%add3A_32] : memref<320000xi32, #tpu.memory_space<hbm>> -> memref<2000xi32, #tpu.memory_space<hbm>>
        %dma_wait3A_42 = tpu.memref_slice %arg2[%add3A_32] : memref<320000xi32, #tpu.memory_space<hbm>> -> memref<2000xi32, #tpu.memory_space<hbm>>
        tpu.wait_dma2 semaphore(%run_scoped3A : memref<!tpu.dma_semaphore, #tpu.memory_space<semaphore_mem>>) src(%dma_wait3A_42 : memref<2000xi32, #tpu.memory_space<hbm>>) dst(%arg8 : memref<2000xi32, #tpu.memory_space<vmem>>)
        tpu.yield
      }) : () -> ()
      "tpu.region"() ({
        %run_scoped3A = tpu.sem_alloc : memref<!tpu.dma_semaphore, #tpu.memory_space<semaphore_mem>>
        %dma_start3A = tpu.memref_slice %arg3[%add3A_32] : memref<320000xf32, #tpu.memory_space<hbm>> -> memref<2000xf32, #tpu.memory_space<hbm>>
        %dma_start3A_41 = tpu.memref_slice %arg3[%add3A_32] : memref<320000xf32, #tpu.memory_space<hbm>> -> memref<2000xf32, #tpu.memory_space<hbm>>
        tpu.enqueue_dma source(%dma_start3A_41 : memref<2000xf32, #tpu.memory_space<hbm>>) target(%arg9 : memref<2000xf32, #tpu.memory_space<vmem>>) target_semaphore(%run_scoped3A : memref<!tpu.dma_semaphore, #tpu.memory_space<semaphore_mem>>)
        %dma_wait3A = tpu.memref_slice %arg3[%add3A_32] : memref<320000xf32, #tpu.memory_space<hbm>> -> memref<2000xf32, #tpu.memory_space<hbm>>
        %dma_wait3A_42 = tpu.memref_slice %arg3[%add3A_32] : memref<320000xf32, #tpu.memory_space<hbm>> -> memref<2000xf32, #tpu.memory_space<hbm>>
        tpu.wait_dma2 semaphore(%run_scoped3A : memref<!tpu.dma_semaphore, #tpu.memory_space<semaphore_mem>>) src(%dma_wait3A_42 : memref<2000xf32, #tpu.memory_space<hbm>>) dst(%arg9 : memref<2000xf32, #tpu.memory_space<vmem>>)
        tpu.yield
      }) : () -> ()
      %scan3A_33 = arith.constant 0 : i32
      %scan3A_34 = arith.constant 0 : i32
      %scan3A_35 = arith.constant 125 : i32
      %scan3A_36 = arith.addi %scan3A_34, %scan3A_35 : i32
      %scan3A_37 = arith.constant 1 : i32
      %scan3A_38 = scf.for %scan3A_41 = %scan3A_34 to %scan3A_36 step %scan3A_37 iter_args(%scan3A_42 = %scan3A_33) -> (i32)  : i32 {
        %mul3A_43 = arith.constant 16 : i32
        %mul3A_44 = arith.muli %scan3A_41, %mul3A_43 : i32
        %get3A_45 = arith.index_cast %mul3A_44 : i32 to index
        %get3A_46 = tpu.vector_load %arg8[%get3A_45] {strides = array<i32>} : memref<2000xi32, #tpu.memory_space<vmem>>, vector<16xi32>,
        %mul3A_47 = arith.constant 16 : i32
        %mul3A_48 = arith.muli %scan3A_41, %mul3A_47 : i32
        %get3A_49 = arith.index_cast %mul3A_48 : i32 to index
        %get3A_50 = tpu.vector_load %arg9[%get3A_49] {strides = array<i32>} : memref<2000xf32, #tpu.memory_space<vmem>>, vector<16xf32>,
        %gather3A = tpu.vector_load_idx %arg7[%get3A_46] : memref<10240xf32, #tpu.memory_space<vmem>>[vector<16xi32>], vector<16xf32>,
        %eq3A_51 = arith.constant 0x7F800000 : f32
        %eq3A_52 = vector.broadcast %eq3A_51 : f32 to vector<16xf32>
        %eq3A_53 = arith.cmpf oeq, %get3A_50, %eq3A_52 : vector<16xf32>
        %jit3A = arith.constant 1.000000e+00 : f32
        %broadcast_in_dim3A_54 = vector.broadcast %jit3A : f32 to vector<16xf32>
        %select_n3A_55 = arith.select %eq3A_53, %broadcast_in_dim3A_54, %get3A_50 : vector<16xi1>, vector<16xf32>
        %ne3A = arith.cmpf one, %select_n3A_55, %select_n3A_55 : vector<16xf32>
        %jit3A_56 = arith.constant 1.000000e+00 : f32
        %broadcast_in_dim3A_57 = vector.broadcast %jit3A_56 : f32 to vector<16xf32>
        %select_n3A_58 = arith.select %ne3A, %broadcast_in_dim3A_57, %select_n3A_55 : vector<16xi1>, vector<16xf32>
        %mul3A_59 = vector.broadcast %reduce_sum3A_10 : f32 to vector<16xf32>
        %mul3A_60 = arith.mulf %select_n3A_58, %mul3A_59 : vector<16xf32>
        %add3A_61 = vector.broadcast %reduce_sum3A_21 : f32 to vector<16xf32>
        %add3A_62 = arith.addf %mul3A_60, %add3A_61 : vector<16xf32>
        %mul3A_63 = arith.mulf %gather3A, %select_n3A_58 : vector<16xf32>
        %add3A_64 = arith.addf %add3A_62, %mul3A_63 : vector<16xf32>
        %eq3A_65 = arith.constant 0x7F800000 : f32
        %eq3A_66 = vector.broadcast %eq3A_65 : f32 to vector<16xf32>
        %eq3A_67 = arith.cmpf oeq, %add3A_64, %eq3A_66 : vector<16xf32>
        %jit3A_68 = arith.constant 1.000000e+00 : f32
        %broadcast_in_dim3A_69 = vector.broadcast %jit3A_68 : f32 to vector<16xf32>
        %select_n3A_70 = arith.select %eq3A_67, %broadcast_in_dim3A_69, %add3A_64 : vector<16xi1>, vector<16xf32>
        %mul3A_71 = arith.constant 16 : i32
        %mul3A_72 = arith.muli %scan3A_41, %mul3A_71 : i32
        %swap3A = arith.index_cast %mul3A_72 : i32 to index
        %swap3A_73 = tpu.vector_load %arg10[%swap3A] {strides = array<i32>} : memref<2000xf32, #tpu.memory_space<vmem>>, vector<16xf32>,
        tpu.vector_store %arg10[%swap3A], %select_n3A_70 {strides = array<i32>} : memref<2000xf32, #tpu.memory_space<vmem>>, vector<16xf32>,
        %scan3A_74 = arith.constant 0 : i32
        scf.yield %scan3A_74 : i32
      }
      %scan3A_39 = arith.constant 125 : i32
      "tpu.region"() ({
        %run_scoped3A = tpu.sem_alloc : memref<!tpu.dma_semaphore, #tpu.memory_space<semaphore_mem>>
        %dma_start3A = tpu.memref_slice %arg6[%add3A_32] : memref<320000xf32, #tpu.memory_space<hbm>> -> memref<2000xf32, #tpu.memory_space<hbm>>
        %dma_start3A_41 = tpu.memref_slice %arg6[%add3A_32] : memref<320000xf32, #tpu.memory_space<hbm>> -> memref<2000xf32, #tpu.memory_space<hbm>>
        tpu.enqueue_dma source(%arg10 : memref<2000xf32, #tpu.memory_space<vmem>>) target(%dma_start3A_41 : memref<2000xf32, #tpu.memory_space<hbm>>) target_semaphore(%run_scoped3A : memref<!tpu.dma_semaphore, #tpu.memory_space<semaphore_mem>>)
        %dma_wait3A = tpu.memref_slice %arg6[%add3A_32] : memref<320000xf32, #tpu.memory_space<hbm>> -> memref<2000xf32, #tpu.memory_space<hbm>>
        %dma_wait3A_42 = tpu.memref_slice %arg6[%add3A_32] : memref<320000xf32, #tpu.memory_space<hbm>> -> memref<2000xf32, #tpu.memory_space<hbm>>
        tpu.wait_dma2 semaphore(%run_scoped3A : memref<!tpu.dma_semaphore, #tpu.memory_space<semaphore_mem>>) src(%arg10 : memref<2000xf32, #tpu.memory_space<vmem>>) dst(%dma_wait3A_42 : memref<2000xf32, #tpu.memory_space<hbm>>)
        tpu.yield
      }) : () -> ()
      %scan3A_40 = arith.constant 0 : i32
      scf.yield %scan3A_40 : i32
    }
    %scan3A_27 = arith.constant 5 : i32
    return
  }
}

module attributes {stable_mosaic.version = 14 : i64} {
  func.func @_matmul_body(%arg0: memref<2500x2048xf32, #tpu.memory_space<vmem>>, %arg1: memref<2048x128xf32, #tpu.memory_space<vmem>>, %arg2: memref<1x1xf32, #tpu.memory_space<smem>>, %arg3: memref<2500x128xf32, #tpu.memory_space<vmem>>) attributes {dimension_semantics = [], scalar_prefetch = 0 : i64, scratch_operands = 0 : i64, tpu.core_type = #tpu.core_type<tc>} {
    %get3A = arith.constant 0 : index
    %get3A_0 = arith.constant 0 : index
    %get3A_1 = vector.load %arg0[%get3A, %get3A_0] : memref<2500x2048xf32, #tpu.memory_space<vmem>>, vector<2500x2048xf32>
    %get3A_2 = arith.constant 0 : index
    %get3A_3 = arith.constant 0 : index
    %get3A_4 = vector.load %arg1[%get3A_2, %get3A_3] : memref<2048x128xf32, #tpu.memory_space<vmem>>, vector<2048x128xf32>
    %dot_general3A = arith.constant dense<0.000000e+00> : vector<2500x128xf32>
    %dot_general3A_5 = tpu.matmul %get3A_1, %get3A_4, %dot_general3A {dimension_numbers = #tpu.dot_dimension_numbers<[1], [0], [0], [1], [0, 0, 1, 1], [], []>, transpose_lhs_hint = false} : vector<2500x2048xf32>, vector<2048x128xf32>, vector<2500x128xf32> -> vector<2500x128xf32>
    %get3A_6 = arith.constant 0 : index
    %get3A_7 = arith.constant 0 : index
    %get3A_8 = memref.load %arg2[%get3A_6, %get3A_7] : memref<1x1xf32, #tpu.memory_space<smem>>
    %add3A = vector.broadcast %get3A_8 : f32 to vector<2500x128xf32>
    %add3A_9 = arith.addf %dot_general3A_5, %add3A : vector<2500x128xf32>
    %swap3A = arith.constant 0 : index
    %swap3A_10 = arith.constant 0 : index
    %swap3A_11 = vector.load %arg3[%swap3A, %swap3A_10] : memref<2500x128xf32, #tpu.memory_space<vmem>>, vector<2500x128xf32>
    tpu.vector_store %arg3[%swap3A, %swap3A_10], %add3A_9 {strides = array<i32>} : memref<2500x128xf32, #tpu.memory_space<vmem>>, vector<2500x128xf32>,
    return
  }
}

</mosaic_0001>

<sc_bundles>
// kernel: kernel.5.cloned.1.call-start
scs
__scs_entry_jumppad:
0x0: {  	(pc) =	sbr.rel $0x88, $3  }
0x1: {  	(tag) =	ssettag $0x0;
	lr =	simm.s32 $0x1  }
0x2: {  	[smem:$0x3F99] =	sst lr;
	_ =	strace $0xD0000000  }
0x3: {  	_ = 	snop  }
0x4: {  	_ = 	snop  }
0x5: {  	_ = 	snop  }
0x6: {  	_ = 	snop  }
0x7: {  	_ = 	snop  }
__scs_overlays_trampoline_lowered:
0x8: {  	[smem:$0x3FA8] =	sst s0  }
0x9: {  	[smem:$0x3FA9] =	sst s1  }
0xa: {  	[smem:$0x3FAA] =	sst s2  }
0xb: {  	[smem:$0x3FAB] =	sst s3  }
0xc: {  	[smem:$0x3FAC] =	sst s4  }
0xd: {  	[smem:$0x3FAD] =	sst s5  }
0xe: {  	[smem:$0x3FAE] =	sst s6  }
0xf: {  	[smem:$0x3FAF] =	sst s7  }
0x10: {  	[smem:$0x3FB0] =	sst s8  }
0x11: {  	[smem:$0x3FB1] =	sst s9;
	s0 =	simm.s32 @!p0 $0x0  }
0x12: {  	s1 =	sld [smem:$0x3F97];
	s0 =	simm.s32 @p0 $0x1  }
0x13: {  	[smem:$0x3FB2] =	sst s0;
	s0 =	simm.s32 @!p1 $0x0  }
0x14: {  	s2 =	sld [smem:$0x3F96];
	s0 =	simm.s32 @p1 $0x1  }
0x15: {  	[smem:$0x3FB3] =	sst s0;
	s0 =	simm.s32 @!p2 $0x0  }
0x16: {  	s3 =	sld [smem:$0x3FDB];
	s0 =	simm.s32 @p2 $0x1  }
0x17: {  	s4 =	simm.s32 $0x1BF5;
	[smem:$0x3FB5] =	sst s0  }
0x18: {  	s0 =	sld [smem:$0x3F98];
	_ =	swait.ge [sflag:s4], $0x0  }
0x19: {  	s7 =	sld [smem:$0x3F99]  }
0x1a: {  	s8 =	sadd.s32 $0xFFFFE003, lr  }
0x1b: {  	s9 =	sadd.s32 $0xFFFFFEF7, lr;
	s5 =	simm.s32 $0xFFFFFFFF;
	p2 =	slt.u32 s8, $0xFFFFF086  }
0x1c: {  	p1 =	slt.u32 s9, $0xF7A;
	s5 =	simm.s32 @!p2 $0x0  }
0x1d: {  	s5 =	simm.s32 @p1 $0x1;
	p0 =	seq.s32 s7, s2  }
0x1e: {  	s7 =	smul.u32 @!p0 $0xF7A, s2;
	p2 =	seq.s32 @!p0 s5, $0x0  }
0x1f: {  	s9 =	smul.u32 $0xF7A, s1;
	s8 =	simm.s32 @!p0 $0x1BF5;
	p2 =	por !p2, p0  }
0x20: {  	[sflag:s8] =	ssyncset.s32 @!p0 $0xFFFFF086;
	s6 =	sadd.s32 @!p0 s3, s7;
	s7 =	simm.s32 @!p0 $0x108  }
0x21: {  	s3 =	sadd.s32 s3, s9;
	s6 =	sadd.s32 @!p0 $0x88, s6;
	s7 =	simm.s32 @p2 $0x1082  }
0x22: {  	[simem:s7], [sflag:s8] =	dma.local @!p0 [hbm:s6], $0xF7A  }
0x23: {  	s9 =	sor.u32 $0xD0000000, s2;
	s6 =	simm.s32 $0x108;
	_ =	swait.ge @!p0 [sflag:s8], $0x0  }
0x24: {  	s3 =	sadd.s32 $0x88, s3;
	s6 =	simm.s32 @!p1 $0x1082;
	[sflag:s4] =	ssyncset.s32 $0xFFFFF086  }
0x25: {  	[simem:s6], [sflag:s4] =	dma.local [hbm:s3], $0xF7A  }
0x26: {  	[smem:$0x3F99] =	sst s1;
	(tag) =	ssettag s2;
	_ =	strace s9  }
0x27: {  	s1 =	sld [smem:$0x3FA9]  }
0x28: {  	s2 =	sld [smem:$0x3FAA]  }
0x29: {  	s4 =	sld [smem:$0x3FAC]  }
0x2a: {  	p0 =	seq.s32 s5, $0x0;
	s5 =	sld [smem:$0x3FAD]  }
0x2b: {  	s6 =	sld [smem:$0x3FAE]  }
0x2c: {  	s7 =	sld [smem:$0x3FAF]  }
0x2d: {  	s3 =	simm.s32 $0x108;
	s8 =	sld [smem:$0x3FB0]  }
0x2e: {  	s3 =	simm.s32 @!p0 $0x1082;
	s9 =	sld [smem:$0x3FB1]  }
0x2f: {  	lr =	sadd.s32 s0, s3;
	s0 =	sld [smem:$0x3FA8]  }
0x30: {  	s3 =	sld [smem:$0x3FAB]  }
0x31: {  	[smem:$0x3FB4] =	sst s10  }
0x32: {  	s10 =	sld [smem:$0x3FB2];
	_ =	sdelay $0x3  }
0x33: {  	p0 =	seq.s32 s10, $0x1;
	s10 =	sld [smem:$0x3FB4];
	_ =	sdelay $0x3  }
0x34: {  	[smem:$0x3FB4] =	sst s10  }
0x35: {  	s10 =	sld [smem:$0x3FB3];
	_ =	sdelay $0x3  }
0x36: {  	p1 =	seq.s32 s10, $0x1;
	s10 =	sld [smem:$0x3FB4];
	_ =	sdelay $0x3  }
0x37: {  	[smem:$0x3FB4] =	sst s10  }
0x38: {  	s10 =	sld [smem:$0x3FB5]  }
0x39: {  	_ = 	snop;
	(pc) =	sbr.ind lr, $3  }
0x3a: {  	_ = 	snop  }
0x3b: {  	_ = 	snop  }
0x3c: {  	p2 =	seq.s32 s10, $0x1;
	s10 =	sld [smem:$0x3FB4]  }
0x3d: {  	_ =	shalt  }
0x3e: {  	_ =	shalt  }
0x3f: {  	_ =	shalt  }
0x40: {  	_ =	shalt  }
0x41: {  	_ =	shalt  }
0x42: {  	_ =	shalt  }
0x43: {  	_ =	shalt  }
0x44: {  	_ =	shalt  }
0x45: {  	_ =	shalt  }
0x46: {  	_ =	shalt  }
0x47: {  	_ =	shalt  }
0x48: {  	_ =	shalt  }
0x49: {  	_ =	shalt  }
0x4a: {  	_ =	shalt  }
0x4b: {  	_ =	shalt  }
0x4c: {  	_ =	shalt  }
0x4d: {  	_ =	shalt  }
0x4e: {  	_ =	shalt  }
0x4f: {  	_ =	shalt  }
0x50: {  	_ =	shalt  }
0x51: {  	_ =	shalt  }
0x52: {  	_ =	shalt  }
0x53: {  	_ =	shalt  }
0x54: {  	_ =	shalt  }
0x55: {  	_ =	shalt  }
0x56: {  	_ =	shalt  }
0x57: {  	_ =	shalt  }
0x58: {  	_ =	shalt  }
0x59: {  	_ =	shalt  }
0x5a: {  	_ =	shalt  }
0x5b: {  	_ =	shalt  }
0x5c: {  	_ =	shalt  }
0x5d: {  	_ =	shalt  }
0x5e: {  	_ =	shalt  }
0x5f: {  	_ =	shalt  }
0x60: {  	_ =	shalt  }
0x61: {  	_ =	shalt  }
0x62: {  	_ =	shalt  }
0x63: {  	_ =	shalt  }
0x64: {  	_ =	shalt  }
0x65: {  	_ =	shalt  }
0x66: {  	_ =	shalt  }
0x67: {  	_ =	shalt  }
0x68: {  	_ =	shalt  }
0x69: {  	_ =	shalt  }
0x6a: {  	_ =	shalt  }
0x6b: {  	_ =	shalt  }
0x6c: {  	_ =	shalt  }
0x6d: {  	_ =	shalt  }
0x6e: {  	_ =	shalt  }
0x6f: {  	_ =	shalt  }
0x70: {  	_ =	shalt  }
0x71: {  	_ =	shalt  }
0x72: {  	_ =	shalt  }
0x73: {  	_ =	shalt  }
0x74: {  	_ =	shalt  }
0x75: {  	_ =	shalt  }
0x76: {  	_ =	shalt  }
0x77: {  	_ =	shalt  }
0x78: {  	_ =	shalt  }
0x79: {  	_ =	shalt  }
0x7a: {  	_ =	shalt  }
0x7b: {  	_ =	shalt  }
0x7c: {  	_ =	shalt  }
0x7d: {  	_ =	shalt  }
0x7e: {  	_ =	shalt  }
0x7f: {  	_ =	shalt  }
0x80: {  	_ =	shalt  }
0x81: {  	_ =	shalt  }
0x82: {  	_ =	shalt  }
0x83: {  	_ =	shalt  }
0x84: {  	_ =	shalt  }
0x85: {  	_ =	shalt  }
0x86: {  	_ =	shalt  }
0x87: {  	_ =	shalt  }
.Lfunc_end0:
.L_simem_size_0:
called_computation_lowered:
.L_overlay_start_0:
0x88: {  	s2 =	sld [smem:$0x3FD9]  }
0x89: {  	s3 =	sld [smem:$0x3FFE];
	_ =	sdelay $0x1  }
0x8a: {  	s1 =	srdreg.scid  }
0x8b: {  	s0 =	sand.u32 $0x1, s1  }
0x8c: {  	s16 =	sshll.u32 s0, $0xA;
	s2 =	sadd.s32 s3, s2  }
0x8d: {  	s2 =	sadd.s32 s2, s16  }
0x8e: {  	[smem:$0x3FC0] =	sst s2  }
0x8f: {  	_ = 	snop  }
0x90: {  	(tm) =	ssettm $0x1  }
0x91: {  	s17 =	sld [smem:$0x3FFB];
	_ =	sdelay $0x3  }
0x92: {  	_ =	strace s17  }
0x93: {  	s2 =	sld [smem:$0x3FFC];
	_ =	sdelay $0x3  }
0x94: {  	_ =	strace s2  }
0x95: {  	s2 =	sld [smem:$0x3FFD];
	_ =	sdelay $0x3  }
0x96: {  	_ =	strace s2  }
0x97: {  	_ =	strace $0x8FFFFFFF  }
0x98: {  	s18 =	sld [smem:$0x3FDB];
	_ =	sdelay $0x1  }
0x99: {  	s19 =	simm.s32 $_scs_section_size  }
0x9a: {  	s4 =	simm.s32 $_size__tile_overlayer_lowered;
	s5 =	simm.s32 $_tile_overlayer_lowered  }
0x9b: {  	s22 =	simm.s32 $0x1BFF;
	s21 =	sshll.u32 s5, $0x1;
	s2 =	sadd.s32 s19, s18  }
0x9c: {  	s6 =	simm.s32 $0x0;
	s20 =	sshll.u32 s4, $0x1;
	s4 =	sadd.s32 s21, s2  }
0x9d: {  	[timem:s6], [sflag:s22] =	dma.local [hbm:s4], s20  }
0x9e: {  	_ =	swait.ge [sflag:s22], s20  }
0x9f: {  	s3 =	ssub.s32 $0x0, s20;
	[sflag:s22] =	ssyncset.done $0x0  }
0xa0: {  	[sflag:s22] =	ssyncadd.s32 s3;
	_ =	sdelay $0x1  }
0xa1: {  	s23 =	simm.s32 $0x1B8B  }
0xa2: {  	_ =	swait.ge [sflag:s23], $0x1  }
0xa3: {  	[sflag:s23] =	ssyncset.done $0x0  }
0xa4: {  	s25 =	simm.s32 $0x1B8E;
	s24 =	sld [smem:$0x3FFE];
	[sflag:s23] =	ssyncadd.s32 $0xFFFFFFFF  }
0xa5: {  	s26 =	simm.s32 $execute0_lowered;
	[smem:$0x3FD2] =	sst s25  }
0xa6: {  	s4 =	sshll.u32 s26, $0x1;
	_ =	strace $0x80000046;
	[dreg:$0x1] =	wrdreg $0xFFFFFFFF  }
0xa7: {  	s28 =	simm.s32 $_size_execute0_lowered;
	s2 =	sadd.s32 s2, s4;
	[dreg:$0x0] =	wrdreg $0x0  }
0xa8: {  	s4 =	sshll.u32 s28, $0x1;
	[dreg:$0x2] =	wrdreg s2  }
0xa9: {  	[dreg:$0x3] =	wrdreg s4  }
0xaa: {  	[dreg:$0x4] =	wrdreg $0xC0  }
0xab: {  	_ =	task [dreg:s6], $0x5FFFF  }
0xac: {  	[dreg:$0x1] =	wrdreg $0xFFFFFFFF  }
0xad: {  	[dreg:$0x0] =	wrdreg $0x60  }
0xae: {  	[dreg:$0x2] =	wrdreg s24  }
0xaf: {  	[dreg:$0x3] =	wrdreg $0x9  }
0xb0: {  	_ =	task.clear_ibuf [dreg:s6], $0x4FFFF;
	_ =	strace $0x90000046  }
0xb1: {  	s29 =	simm.s32 $0x9;
	_ =	strace $0x80000048  }
0xb2: {  	_ =	swait.ge [sflag:s29], $0x1  }
0xb3: {  	[sflag:s29] =	ssyncadd.s32 $0xFFFFFFFF  }
0xb4: {  	_ =	strace $0x90000048  }
0xb5: {  	_ =	sfence  }
0xb6: {  	s30 =	sld [smem:$0x0];
	_ =	sdelay $0x2  }
0xb7: {  	s31 =	sshll.u32 s1, $0xD;
	s1 =	sshrl.u32 s1, $0x2  }
0xb8: {  	s3 =	sand.u32 $0x4000, s31;
	s1 =	sadd.s32 s1, s30  }
0xb9: {  	s0 =	sor.u32 s3, s0;
	s1 =	sshll.u32 s1, $0x11  }
0xba: {  	s0 =	sor.u32 s1, s0  }
0xbb: {  	s0 =	sadd.s32 $0x8F2B, s0  }
0xbc: {  	[sflag:s0] =	ssyncadd.remote.s32 $0x1  }
0xbd: {  	_ =	sfence.sel $0xFFFF  }
0xbe: {  	[dreg:$0x0] =	wrdreg $0xFFFFFFFF;
	(pc) =	sbr.abs _section_cstart, $3  }
0xbf: {  	[dreg:$0x1] =	wrdreg $0xFFFFFFFF  }
0xc0: {  	_ =	task.clear_ibuf [dreg:s6], $0x2FFFF;
	_ =	strace $0x9FFFFFFF  }
0xc1: {  	(tm) =	ssettm $0x7FFFFFFF  }
tec
execute0_lowered:
.L_overlay_start_1:
0x0: {  	(tag) =	ssettag $0x1  }
0x1: {  	s1 =	srdreg.scid  }
0x2: {  	s0 =	stileid.u32;
	s6 =	rddreg [dreg:$0x0]  }
0x3: {  	s2 =	simm.s32 $0x0;
	s10 =	simm.s32 $0xFD80;
	s11 =	simm.s32 $0x12300  }
0x4: {  	s12 =	simm.s32 $0x1;
	s13 =	simm.s32 $0x2;
	s14 =	simm.s32 $0xA900  }
0x5: {  	s15 =	simm.s32 $0x5480;
	s4 =	sand.u32 $0x1, s1;
	s3 =	sshll.u32 s0, $0x1  }
0x6: {  	s16 =	simm.s32 $0x1AB80;
	s17 =	simm.s32 $0x1A800;
	s3 =	sor.u32 s4, s3  }
0x7: {  	s18 =	simm.s32 $0x15200;
	s19 =	simm.s32 $0x1A680;
	s3 =	smul.u32 $0x140, s3  }
.Ltmp0:
0x8: {  	s20 =	simm.s32 $0x0;
	[smem:$0x7FF] =	sst s2;
	(pc) =	sbr.rel .LBB2_1-.Ltmp0, $4  }
0x9: {  	v1 =	vimm.f32 $0.0e+00;
	v2 =	vimm.s32 $0x140;
	s5 =	sadd.s32 $0x32400, s6;
	_ =	strace $0x80000047;
	s7 =	ssub.s32 $0x2, s4  }
0xa: {  	v3 =	vimm.s32 $0x0;
	v4 =	vimm.s32 $0xFFFFFFFF;
	vm0 =	vmmov $0x1;
	s4 =	sadd.s32 $0x14E00, s6;
	s9 =	sshrl.u32 s7, $0x1;
	s8 =	sshrl.u32 s3, $0x3  }
0xb: {  	vm1 =	vcmask $0x308;
	vm2 =	vcmask $0x70C;
	vm3 =	vcmask $0xB10;
	s7 =	ssub.s32 s7, s9;
	s9 =	simm.s32 $0x3;
	s6 =	sadd.s32 s8, s6  }
0xc: {  	vm4 =	vcmask $0xF14;
	v5 =	vlaneseq.u32;
	s7 =	smax.u32 s7, $0x1;
	v0 =	vmov s3;
	s8 =	simm.s32 $0x1AB00;
	s6 =	sadd.s32 $0x32600, s6  }
.LBB2_38:
0xd: {  	s20 =	sadd.s32 $0x1, s20  }
0xe: {  	p0 =	sne.s32 s20, s7  }
.Ltmp1:
0xf: {  	_ = 	snop;
	(pc) =	sbr.rel @!p0 .LBB2_39-.Ltmp1, $4  }
0x10: {  	[hbm4b:s6+s2] =	stream.linear.scatter [tilespmem:s16], [sflag:$0x3], $0x140, $0x38;
	[tilespmem:$0x1AD00] =	vst v63  }
0x11: {  	_ =	swait.ge [sflag:s9], $0x140  }
0x12: {  	[sflag:s9] =	ssyncset.done $0x0  }
0x13: {  	[sflag:s9] =	ssyncadd.s32 $0xFFFFFEC0  }
.LBB2_1:
0x14: {  	[tilespmem:s8], [sflag:$0x3] =	stream.linear.gather [hbm4b:s5+s2], $0x80, $0x38;
	[tilespmem:$0x1AD00] =	vst v63  }
0x15: {  	_ =	swait.ge [sflag:s9], $0x80  }
0x16: {  	[sflag:s9] =	ssyncset.done $0x0  }
0x17: {  	s24 =	simm.s32 $0x0;
	s21 =	simm.s32 $0x0;
	[sflag:s9] =	ssyncadd.s32 $0xFFFFFF80  }
0x18: {  	v6 =	vld [tilespmem:$0x1AB00];
	[tilespmem:s10], [sflag:$0x1] =	stream.linear.gather [hbm4b:s4+s2], $0x2580, $0x38  }
.LBB2_3:
0x19: {  	s22 =	smul.u32 $0x4B00, s21;
	_ =	sdelay $0x1  }
0x1a: {  	s23 =	sshrl.u32 s22, $0x3  }
0x1b: {  	s23 =	sadd.s32 s4, s23  }
0x1c: {  	s25 =	simm.s32 $0x0;
	s23 =	sadd.s32 $0x4B0, s23  }
0x1d: {  	[tilespmem:s11], [sflag:$0x2] =	stream.linear.gather [hbm4b:s23+s25], $0x2580, $0x38;
	[tilespmem:$0x1AD00] =	vst v63  }
0x1e: {  	_ =	swait.ge [sflag:s12], $0x2580  }
0x1f: {  	[sflag:s12] =	ssyncset.done $0x0  }
0x20: {  	s23 =	simm.s32 $0xFD80;
	[sflag:s12] =	ssyncadd.s32 $0xFFFFDA80  }
0x21: {  	v7 =	vld [tilespmem:s23+$0x0];
	_ =	sdelay $0x4  }
0x22: {  	v8 =	vsub.s32 v7, v0  }
0x23: {  	vm5 =	vlt.u32 v8, $0x140  }
0x24: {  	v9 =	vsel vm5, $0x3F800000, v1  }
0x25: {  	(xrf2) =	vadd.scan.msk.f32 $0xffff, v9;
	_ =	sdelay $0x9  }
0x26: {  	v9, _, _ =	vpop (xrf2)  }
0x27: {  	(v2sf) =	vpush v9, $0xF;
	_ =	sdelay $0xd  }
0x28: {  	s25 =	sand.u32 $0xFE0, s25  }
0x29: {  	v9 =	vld [tilespmem:s25+$0x10A00];
	s26 =	spop (v2sf)  }
0x2a: {  	v10 =	vld [tilespmem:s25+$0x11680];
	s26 =	scvt.f32.s32 s26  }
0x2b: {  	p0 =	slt.s32 s24, $0x5400  }
0x2c: {  	s29 =	sadd.s32 s26, s24;
	s24 =	simm.s32 @!p0 $0x5400  }
0x2d: {  	[tilespmem:s24+$0x0] =	vst.msk vm5, v8  }
0x2e: {  	v8 =	vsub.s32 v9, v0;
	p0 =	slt.s32 s29, $0x5400;
	s26 =	smov.u32 s29;
	[tilespmem:s24+$0x5480] =	vst.msk vm5, v9  }
0x2f: {  	vm6 =	vlt.u32 v8, $0x140;
	s26 =	simm.s32 @!p0 $0x5400;
	[tilespmem:s24+$0xA900] =	vst.msk vm5, v10  }
0x30: {  	[tilespmem:s26+$0x0] =	vst.msk vm6, v8  }
0x31: {  	[tilespmem:s26+$0x5480] =	vst.msk vm6, v7  }
0x32: {  	[tilespmem:s26+$0xA900] =	vst.msk vm6, v10  }
0x33: {  	v7 =	vld [tilespmem:s23+$0x10];
	_ =	sdelay $0x1  }
0x34: {  	v8 =	vsel vm6, $0x3F800000, v1  }
0x35: {  	(xrf2) =	vadd.scan.msk.f32 $0xffff, v8;
	v10 =	vld [tilespmem:s23+$0xC90];
	_ =	sdelay $0x1  }
0x36: {  	v11 =	vsub.s32 v7, v0  }
0x37: {  	vm6 =	vlt.u32 v11, $0x140  }
0x38: {  	v8 =	vsel vm6, $0x3F800000, v1  }
0x39: {  	v9 =	vsub.s32 v10, v0;
	(xrf2) =	vadd.scan.msk.f32 $0xffff, v8  }
0x3a: {  	vm5 =	vlt.u32 v9, $0x140  }
0x3b: {  	v8 =	vsel vm5, $0x3F800000, v1  }
0x3c: {  	(xrf2) =	vadd.scan.msk.f32 $0xffff, v8;
	_ =	sdelay $0x1  }
0x3d: {  	v8, _, _ =	vpop (xrf2)  }
0x3e: {  	(v2sf) =	vpush v8, $0xF;
	_ =	sdelay $0x3  }
0x3f: {  	v8, _, _ =	vpop (xrf2)  }
0x40: {  	(v2sf) =	vpush v8, $0xF;
	_ =	sdelay $0x1  }
0x41: {  	v8, _, _ =	vpop (xrf2)  }
0x42: {  	(v2sf) =	vpush v8, $0xF;
	_ =	sdelay $0x6  }
0x43: {  	s30 =	spop (v2sf)  }
0x44: {  	s24 =	scvt.f32.s32 s30;
	_ =	sdelay $0x1  }
0x45: {  	v8 =	vld [tilespmem:s23+$0x1910];
	s25 =	sadd.s32 s24, s29  }
0x46: {  	p0 =	slt.s32 s25, $0x5400;
	s24 =	smov.u32 s25  }
0x47: {  	s24 =	simm.s32 @!p0 $0x5400;
	s31 =	spop (v2sf)  }
0x48: {  	[tilespmem:s24+$0x0] =	vst.msk vm6, v11;
	s26 =	scvt.f32.s32 s31  }
0x49: {  	[tilespmem:s24+$0x5480] =	vst.msk vm6, v10  }
0x4a: {  	[tilespmem:s24+$0xA900] =	vst.msk vm6, v8;
	s24 =	simm.s32 $0x20;
	s25 =	sadd.s32 s26, s25;
	s26 =	spop (v2sf)  }
.LBB2_4:
0x4b: {  	s26 =	scvt.f32.s32 s26;
	p1 =	slt.s32 s25, $0x5400  }
0x4c: {  	s23 =	sadd.s32 $0x20, s23;
	s28 =	smov.u32 s24;
	s29 =	smov.u32 s25  }
0x4d: {  	p0 =	sne.s32 s24, $0xC60;
	s24 =	sadd.s32 $0x20, s24;
	s29 =	simm.s32 @!p1 $0x5400  }
0x4e: {  	[tilespmem:s29+$0x0] =	vst.msk vm5, v9;
	s25 =	sadd.s32 s26, s25  }
0x4f: {  	p1 =	slt.s32 s25, $0x5400;
	[tilespmem:s29+$0x5480] =	vst.msk vm5, v7  }
0x50: {  	[tilespmem:s29+$0xA900] =	vst.msk vm5, v8  }
0x51: {  	v7 =	vld [tilespmem:s23+$0x0];
	_ =	sdelay $0x4  }
0x52: {  	v8 =	vsub.s32 v7, v0  }
0x53: {  	vm5 =	vlt.u32 v8, $0x140  }
0x54: {  	v9 =	vsel vm5, $0x3F800000, v1  }
0x55: {  	(xrf2) =	vadd.scan.msk.f32 $0xffff, v9  }
0x56: {  	s26 =	sand.u32 $0xFE0, s28  }
0x57: {  	v9 =	vld [tilespmem:s26+$0x10A00];
	_ =	sdelay $0x4  }
0x58: {  	v10 =	vsub.s32 v9, v0  }
0x59: {  	vm6 =	vlt.u32 v10, $0x140  }
0x5a: {  	v11 =	vsel vm6, $0x3F800000, v1  }
0x5b: {  	v12, _, _ =	vpop (xrf2);
	(xrf2) =	vadd.scan.msk.f32 $0xffff, v11  }
0x5c: {  	(v2sf) =	vpush v12, $0xF;
	_ =	sdelay $0x8  }
0x5d: {  	v11, _, _ =	vpop (xrf2)  }
0x5e: {  	(v2sf) =	vpush v11, $0xF;
	_ =	sdelay $0x4  }
0x5f: {  	v11 =	vld [tilespmem:s26+$0x11680];
	s26 =	spop (v2sf)  }
0x60: {  	s28 =	smov.u32 s25;
	s26 =	scvt.f32.s32 s26  }
0x61: {  	s28 =	simm.s32 @!p1 $0x5400  }
0x62: {  	[tilespmem:s28+$0x0] =	vst.msk vm5, v8;
	s25 =	sadd.s32 s26, s25  }
0x63: {  	[tilespmem:s28+$0x5480] =	vst.msk vm5, v9;
	p1 =	slt.s32 s25, $0x5400;
	s26 =	smov.u32 s25  }
0x64: {  	[tilespmem:s28+$0xA900] =	vst.msk vm5, v11;
	s26 =	simm.s32 @!p1 $0x5400  }
0x65: {  	[tilespmem:s26+$0x0] =	vst.msk vm6, v10  }
0x66: {  	[tilespmem:s26+$0x5480] =	vst.msk vm6, v7  }
0x67: {  	[tilespmem:s26+$0xA900] =	vst.msk vm6, v11  }
0x68: {  	v7 =	vld [tilespmem:s23+$0x10]  }
0x69: {  	s26 =	spop (v2sf)  }
0x6a: {  	s26 =	scvt.f32.s32 s26  }
0x6b: {  	v9 =	vld [tilespmem:s23+$0xC90]  }
0x6c: {  	s25 =	sadd.s32 s26, s25;
	v8 =	vld [tilespmem:s23+$0x1910]  }
0x6d: {  	v10 =	vsub.s32 v7, v0;
	p1 =	slt.s32 s25, $0x5400;
	s26 =	smov.u32 s25  }
0x6e: {  	vm5 =	vlt.u32 v10, $0x140;
	s26 =	simm.s32 @!p1 $0x5400  }
0x6f: {  	v11 =	vsel vm5, $0x3F800000, v1;
	[tilespmem:s26+$0x0] =	vst.msk vm5, v10  }
0x70: {  	[tilespmem:s26+$0x5480] =	vst.msk vm5, v9;
	v9 =	vsub.s32 v9, v0;
	(xrf2) =	vadd.scan.msk.f32 $0xffff, v11  }
0x71: {  	[tilespmem:s26+$0xA900] =	vst.msk vm5, v8;
	vm5 =	vlt.u32 v9, $0x140  }
0x72: {  	v10 =	vsel vm5, $0x3F800000, v1  }
0x73: {  	(xrf2) =	vadd.scan.msk.f32 $0xffff, v10;
	_ =	sdelay $0x6  }
0x74: {  	v10, _, _ =	vpop (xrf2)  }
0x75: {  	(v2sf) =	vpush v10, $0xF;
	_ =	sdelay $0x1  }
0x76: {  	v10, _, _ =	vpop (xrf2)  }
0x77: {  	(v2sf) =	vpush v10, $0xF;
	_ =	sdelay $0xa  }
.Ltmp2:
0x78: {  	(pc) =	sbr.rel @p0 .LBB2_4-.Ltmp2, $3  }
0x79: {  	s26 =	spop (v2sf)  }
0x7a: {  	s26 =	scvt.f32.s32 s26;
	_ =	sdelay $0x1  }
0x7b: {  	s25 =	sadd.s32 s26, s25;
	s26 =	spop (v2sf)  }
0x7c: {  	s23 =	scvt.f32.s32 s26  }
0x7d: {  	p0 =	slt.s32 s25, $0x5400  }
0x7e: {  	s23 =	sadd.s32 s23, s25;
	s25 =	simm.s32 @!p0 $0x5400;
	p0 =	seq.s32 s21, $0x31  }
0x7f: {  	[tilespmem:s25+$0x0] =	vst.msk vm5, v9;
	s22 =	sshrl.u32 @!p0 s22, $0x3  }
0x80: {  	[tilespmem:s25+$0x5480] =	vst.msk vm5, v7;
	s22 =	sadd.s32 @!p0 s4, s22  }
0x81: {  	s24 =	simm.s32 @!p0 $0x0;
	[tilespmem:s25+$0xA900] =	vst.msk vm5, v8;
	s22 =	sadd.s32 @!p0 $0x960, s22;
	s25 =	simm.s32 @!p0 $0xFD80  }
0x82: {  	[tilespmem:s25], [sflag:$0x1] =	stream.linear.gather @!p0 [hbm4b:s22+s24], $0x2580, $0x38;
	[tilespmem:$0x1AD00] =	vst v63  }
0x83: {  	_ =	swait.ge [sflag:s13], $0x2580  }
0x84: {  	s0 =	simm.s32 $0x0;
	[sflag:s13] =	ssyncset.done $0x0  }
0x85: {  	s22 =	sand.u32 $0xFE0, s0;
	[sflag:s13] =	ssyncadd.s32 $0xFFFFDA80  }
0x86: {  	v7 =	vld [tilespmem:s22+$0x12300];
	_ =	sdelay $0x4  }
0x87: {  	v8 =	vsub.s32 v7, v0  }
0x88: {  	vm5 =	vlt.u32 v8, $0x140  }
0x89: {  	v9 =	vsel vm5, $0x3F800000, v1  }
0x8a: {  	(xrf2) =	vadd.scan.msk.f32 $0xffff, v9;
	_ =	sdelay $0x9  }
0x8b: {  	v9, _, _ =	vpop (xrf2)  }
0x8c: {  	(v2sf) =	vpush v9, $0xF;
	_ =	sdelay $0xe  }
0x8d: {  	v9 =	vld [tilespmem:s22+$0x12F80];
	s1 =	spop (v2sf)  }
0x8e: {  	v10 =	vld [tilespmem:s22+$0x13C00];
	s24 =	scvt.f32.s32 s1  }
0x8f: {  	p0 =	slt.s32 s23, $0x5400  }
0x90: {  	s25 =	sadd.s32 s24, s23;
	s23 =	simm.s32 @!p0 $0x5400  }
0x91: {  	[tilespmem:s23+$0x0] =	vst.msk vm5, v8  }
0x92: {  	v8 =	vsub.s32 v9, v0;
	p0 =	slt.s32 s25, $0x5400;
	s24 =	smov.u32 s25;
	[tilespmem:s23+$0x5480] =	vst.msk vm5, v9  }
0x93: {  	vm6 =	vlt.u32 v8, $0x140;
	s24 =	simm.s32 @!p0 $0x5400;
	[tilespmem:s23+$0xA900] =	vst.msk vm5, v10  }
0x94: {  	[tilespmem:s24+$0x0] =	vst.msk vm6, v8  }
0x95: {  	[tilespmem:s24+$0x5480] =	vst.msk vm6, v7  }
0x96: {  	s26 =	simm.s32 $0x13C10;
	[tilespmem:s24+$0xA900] =	vst.msk vm6, v10  }
0x97: {  	v7 =	vld [tilespmem:s26+$0xFFFFE700];
	_ =	sdelay $0x1  }
0x98: {  	v8 =	vsel vm6, $0x3F800000, v1  }
0x99: {  	(xrf2) =	vadd.scan.msk.f32 $0xffff, v8;
	v10 =	vld [tilespmem:s26+$0xFFFFF380];
	_ =	sdelay $0x1  }
0x9a: {  	v11 =	vsub.s32 v7, v0  }
0x9b: {  	vm6 =	vlt.u32 v11, $0x140  }
0x9c: {  	v8 =	vsel vm6, $0x3F800000, v1  }
0x9d: {  	v9 =	vsub.s32 v10, v0;
	(xrf2) =	vadd.scan.msk.f32 $0xffff, v8  }
0x9e: {  	vm5 =	vlt.u32 v9, $0x140  }
0x9f: {  	v8 =	vsel vm5, $0x3F800000, v1  }
0xa0: {  	(xrf2) =	vadd.scan.msk.f32 $0xffff, v8;
	_ =	sdelay $0x1  }
0xa1: {  	v8, _, _ =	vpop (xrf2)  }
0xa2: {  	(v2sf) =	vpush v8, $0xF;
	_ =	sdelay $0x3  }
0xa3: {  	v8, _, _ =	vpop (xrf2)  }
0xa4: {  	(v2sf) =	vpush v8, $0xF;
	_ =	sdelay $0x1  }
0xa5: {  	v8, _, _ =	vpop (xrf2)  }
0xa6: {  	(v2sf) =	vpush v8, $0xF;
	_ =	sdelay $0x6  }
0xa7: {  	s29 =	spop (v2sf)  }
0xa8: {  	s24 =	scvt.f32.s32 s29;
	_ =	sdelay $0x1  }
0xa9: {  	v8 =	vld [tilespmem:s26+$0x0];
	s22 =	sadd.s32 s24, s25  }
0xaa: {  	p0 =	slt.s32 s22, $0x5400;
	s25 =	smov.u32 s22  }
0xab: {  	s25 =	simm.s32 @!p0 $0x5400;
	s30 =	spop (v2sf)  }
0xac: {  	[tilespmem:s25+$0x0] =	vst.msk vm6, v11;
	s31 =	scvt.f32.s32 s30  }
0xad: {  	s21 =	sadd.s32 $0x1, s21;
	s23 =	simm.s32 $0x20;
	s24 =	simm.s32 $0x40;
	[tilespmem:s25+$0x5480] =	vst.msk vm6, v10  }
0xae: {  	[tilespmem:s25+$0xA900] =	vst.msk vm6, v8;
	s28 =	spop (v2sf);
	s26 =	sadd.s32 s31, s22;
	s22 =	simm.s32 $0x13C30  }
.LBB2_6:
0xaf: {  	s25 =	sand.u32 $0xFE0, s23;
	s28 =	scvt.f32.s32 s28  }
0xb0: {  	p1 =	slt.s32 s26, $0x5400;
	s23 =	smov.u32 s24;
	s29 =	smov.u32 s26  }
0xb1: {  	p0 =	seq.s32 s24, $0xC60;
	s24 =	sadd.s32 $0x20, s24;
	s29 =	simm.s32 @!p1 $0x5400  }
0xb2: {  	[tilespmem:s29+$0x0] =	vst.msk vm5, v9;
	s26 =	sadd.s32 s28, s26  }
0xb3: {  	p1 =	slt.s32 s26, $0x5400;
	[tilespmem:s29+$0x5480] =	vst.msk vm5, v7  }
0xb4: {  	[tilespmem:s29+$0xA900] =	vst.msk vm5, v8  }
0xb5: {  	v7 =	vld [tilespmem:s25+$0x12300];
	_ =	sdelay $0x4  }
0xb6: {  	v8 =	vsub.s32 v7, v0  }
0xb7: {  	vm5 =	vlt.u32 v8, $0x140  }
0xb8: {  	v9 =	vsel vm5, $0x3F800000, v1  }
0xb9: {  	(xrf2) =	vadd.scan.msk.f32 $0xffff, v9;
	_ =	sdelay $0x1  }
0xba: {  	v9 =	vld [tilespmem:s25+$0x12F80];
	_ =	sdelay $0x4  }
0xbb: {  	v10 =	vsub.s32 v9, v0  }
0xbc: {  	vm6 =	vlt.u32 v10, $0x140  }
0xbd: {  	v11 =	vsel vm6, $0x3F800000, v1  }
0xbe: {  	v12, _, _ =	vpop (xrf2);
	(xrf2) =	vadd.scan.msk.f32 $0xffff, v11  }
0xbf: {  	(v2sf) =	vpush v12, $0xF;
	_ =	sdelay $0x8  }
0xc0: {  	v11, _, _ =	vpop (xrf2)  }
0xc1: {  	(v2sf) =	vpush v11, $0xF;
	_ =	sdelay $0x4  }
0xc2: {  	v11 =	vld [tilespmem:s25+$0x13C00];
	s25 =	spop (v2sf)  }
0xc3: {  	s28 =	smov.u32 s26;
	s25 =	scvt.f32.s32 s25  }
0xc4: {  	s28 =	simm.s32 @!p1 $0x5400  }
0xc5: {  	[tilespmem:s28+$0x0] =	vst.msk vm5, v8;
	s25 =	sadd.s32 s25, s26  }
0xc6: {  	[tilespmem:s28+$0x5480] =	vst.msk vm5, v9;
	p1 =	slt.s32 s25, $0x5400;
	s26 =	smov.u32 s25  }
0xc7: {  	[tilespmem:s28+$0xA900] =	vst.msk vm5, v11;
	s26 =	simm.s32 @!p1 $0x5400  }
0xc8: {  	[tilespmem:s26+$0x0] =	vst.msk vm6, v10  }
0xc9: {  	[tilespmem:s26+$0x5480] =	vst.msk vm6, v7  }
0xca: {  	[tilespmem:s26+$0xA900] =	vst.msk vm6, v11  }
0xcb: {  	v7 =	vld [tilespmem:s22+$0xFFFFE700]  }
0xcc: {  	s26 =	spop (v2sf)  }
0xcd: {  	s26 =	scvt.f32.s32 s26  }
0xce: {  	v9 =	vld [tilespmem:s22+$0xFFFFF380]  }
0xcf: {  	s25 =	sadd.s32 s26, s25;
	v8 =	vld [tilespmem:s22+$0x0]  }
0xd0: {  	v10 =	vsub.s32 v7, v0;
	p1 =	slt.s32 s25, $0x5400;
	s26 =	smov.u32 s25  }
0xd1: {  	vm5 =	vlt.u32 v10, $0x140;
	s26 =	simm.s32 @!p1 $0x5400  }
0xd2: {  	v11 =	vsel vm5, $0x3F800000, v1;
	[tilespmem:s26+$0x0] =	vst.msk vm5, v10  }
0xd3: {  	[tilespmem:s26+$0x5480] =	vst.msk vm5, v9;
	v9 =	vsub.s32 v9, v0;
	(xrf2) =	vadd.scan.msk.f32 $0xffff, v11  }
0xd4: {  	[tilespmem:s26+$0xA900] =	vst.msk vm5, v8;
	vm5 =	vlt.u32 v9, $0x140  }
0xd5: {  	v10 =	vsel vm5, $0x3F800000, v1  }
0xd6: {  	(xrf2) =	vadd.scan.msk.f32 $0xffff, v10;
	_ =	sdelay $0x6  }
0xd7: {  	v10, _, _ =	vpop (xrf2)  }
0xd8: {  	(v2sf) =	vpush v10, $0xF;
	_ =	sdelay $0x1  }
0xd9: {  	v10, _, _ =	vpop (xrf2)  }
0xda: {  	(v2sf) =	vpush v10, $0xF;
	_ =	sdelay $0xa  }
.Ltmp3:
0xdb: {  	(pc) =	sbr.rel @!p0 .LBB2_6-.Ltmp3, $3  }
0xdc: {  	s26 =	spop (v2sf)  }
0xdd: {  	s26 =	scvt.f32.s32 s26;
	_ =	sdelay $0x1  }
0xde: {  	s22 =	sadd.s32 $0x20, s22;
	s26 =	sadd.s32 s26, s25;
	s28 =	spop (v2sf)  }
0xdf: {  	s24 =	scvt.f32.s32 s28  }
0xe0: {  	p0 =	slt.s32 s26, $0x5400  }
0xe1: {  	s24 =	sadd.s32 s24, s26;
	s26 =	simm.s32 @!p0 $0x5400  }
0xe2: {  	[tilespmem:s26+$0x0] =	vst.msk vm5, v9  }
0xe3: {  	[tilespmem:s26+$0x5480] =	vst.msk vm5, v7  }
0xe4: {  	s23 =	sand.u32 $0xFE0, s23;
	[tilespmem:s26+$0xA900] =	vst.msk vm5, v8  }
0xe5: {  	v7 =	vld [tilespmem:s23+$0x12300];
	_ =	sdelay $0x4  }
0xe6: {  	v8 =	vsub.s32 v7, v0  }
0xe7: {  	vm5 =	vlt.u32 v8, $0x140  }
0xe8: {  	v54 =	vsel vm5, $0x3F800000, v1  }
0xe9: {  	(xrf2) =	vadd.scan.msk.f32 $0xffff, v54;
	_ =	sdelay $0x9  }
0xea: {  	v9, _, _ =	vpop (xrf2)  }
0xeb: {  	(v2sf) =	vpush v9, $0xF;
	_ =	sdelay $0xe  }
0xec: {  	v55 =	vld [tilespmem:s23+$0x12F80];
	s25 =	spop (v2sf)  }
0xed: {  	v10 =	vld [tilespmem:s23+$0x13C00];
	s25 =	scvt.f32.s32 s25  }
0xee: {  	p0 =	slt.s32 s24, $0x5400  }
0xef: {  	s28 =	sadd.s32 s25, s24;
	s24 =	simm.s32 @!p0 $0x5400  }
0xf0: {  	[tilespmem:s24+$0x0] =	vst.msk vm5, v8  }
0xf1: {  	v8 =	vsub.s32 v55, v0;
	p0 =	slt.s32 s28, $0x5400;
	s25 =	smov.u32 s28;
	[tilespmem:s24+$0x5480] =	vst.msk vm5, v55  }
0xf2: {  	vm6 =	vlt.u32 v8, $0x140;
	s25 =	simm.s32 @!p0 $0x5400;
	[tilespmem:s24+$0xA900] =	vst.msk vm5, v10  }
0xf3: {  	[tilespmem:s25+$0x0] =	vst.msk vm6, v8  }
0xf4: {  	[tilespmem:s25+$0x5480] =	vst.msk vm6, v7  }
0xf5: {  	[tilespmem:s25+$0xA900] =	vst.msk vm6, v10  }
0xf6: {  	v7 =	vld [tilespmem:s22+$0xFFFFE700];
	_ =	sdelay $0x1  }
0xf7: {  	v8 =	vld [tilespmem:s22+$0xFFFFF380];
	_ =	sdelay $0x1  }
0xf8: {  	v56 =	vsel vm6, $0x3F800000, v1  }
0xf9: {  	(xrf2) =	vadd.scan.msk.f32 $0xffff, v56;
	v57 =	vsub.s32 v7, v0  }
0xfa: {  	vm5 =	vlt.u32 v57, $0x140  }
0xfb: {  	v58 =	vsub.s32 v8, v0;
	v11 =	vsel vm5, $0x3F800000, v1  }
0xfc: {  	vm6 =	vlt.u32 v58, $0x140;
	(xrf2) =	vadd.scan.msk.f32 $0xffff, v11  }
0xfd: {  	v59 =	vsel vm6, $0x3F800000, v1  }
0xfe: {  	(xrf2) =	vadd.scan.msk.f32 $0xffff, v59;
	_ =	sdelay $0x4  }
0xff: {  	v60, _, _ =	vpop (xrf2)  }
0x100: {  	(v2sf) =	vpush v60, $0xF;
	_ =	sdelay $0x1  }
0x101: {  	v61, _, _ =	vpop (xrf2)  }
0x102: {  	(v2sf) =	vpush v61, $0xF  }
0x103: {  	v62, _, _ =	vpop (xrf2)  }
0x104: {  	(v2sf) =	vpush v62, $0xF;
	_ =	sdelay $0x9  }
0x105: {  	s29 =	spop (v2sf)  }
0x106: {  	s24 =	scvt.f32.s32 s29;
	_ =	sdelay $0x1  }
0x107: {  	v63 =	vld [tilespmem:s22+$0x0];
	s23 =	sadd.s32 s24, s28;
	s30 =	spop (v2sf)  }
0x108: {  	p0 =	slt.s32 s23, $0x5400;
	s25 =	smov.u32 s23;
	s22 =	scvt.f32.s32 s30  }
0x109: {  	s25 =	simm.s32 @!p0 $0x5400;
	s31 =	spop (v2sf)  }
0x10a: {  	[tilespmem:s25+$0x0] =	vst.msk vm5, v57;
	s24 =	scvt.f32.s32 s31;
	s22 =	sadd.s32 s22, s23  }
0x10b: {  	[tilespmem:s25+$0x5480] =	vst.msk vm5, v8;
	p0 =	slt.s32 s22, $0x5400  }
0x10c: {  	[tilespmem:s25+$0xA900] =	vst.msk vm5, v63;
	s24 =	sadd.s32 s24, s22;
	s22 =	simm.s32 @!p0 $0x5400  }
0x10d: {  	[tilespmem:s22+$0x0] =	vst.msk vm6, v58  }
0x10e: {  	[tilespmem:s22+$0x5480] =	vst.msk vm6, v7  }
0x10f: {  	[tilespmem:s22+$0xA900] =	vst.msk vm6, v63  }
0x110: {  	p0 =	seq.s32 s21, $0x32  }
.Ltmp4:
0x111: {  	_ = 	snop;
	(pc) =	sbr.rel @!p0 .LBB2_3-.Ltmp4, $1  }
0x112: {  	_ =	sdelay $0x3  }
0x113: {  	p0 =	slt.s32 s24, $0x5400;
	s21 =	smov.u32 s24  }
0x114: {  	s21 =	simm.s32 @!p0 $0x5400  }
0x115: {  	[tilespmem:s21+$0x0] =	vst v2  }
0x116: {  	[tilespmem:s21+$0x5480] =	vst v3  }
0x117: {  	[tilespmem:s21+$0xA900] =	vst v1  }
0x118: {  	[tilespmem:$0x1A680] =	vst v1  }
0x119: {  	[tilespmem:$0x1A690] =	vst v1  }
0x11a: {  	[tilespmem:$0x1A6A0] =	vst v1  }
0x11b: {  	[tilespmem:$0x1A6B0] =	vst v1  }
0x11c: {  	[tilespmem:$0x1A6C0] =	vst v1  }
0x11d: {  	[tilespmem:$0x1A6D0] =	vst v1  }
0x11e: {  	[tilespmem:$0x1A6E0] =	vst v1  }
0x11f: {  	[tilespmem:$0x1A6F0] =	vst v1  }
0x120: {  	[tilespmem:$0x1A700] =	vst v1  }
0x121: {  	s22 =	sand.u32 $0xF, s21;
	[tilespmem:$0x1A710] =	vst v1  }
0x122: {  	p6 =	slt.s32 s24, $0x1;
	s23 =	sshra.s32 s21, $0x1F;
	[tilespmem:$0x1A720] =	vst v1;
	p1 =	sne.s32 s22, $0x0  }
0x123: {  	[tilespmem:$0x1A730] =	vst v1;
	s31 =	sshrl.u32 s23, $0x1C;
	p0 =	por !p6, !p1  }
0x124: {  	[tilespmem:$0x1A740] =	vst v1;
	s22 =	simm.s32 $0x1;
	s21 =	sadd.s32 s31, s21;
	p0 =	por !p0, !p0  }
0x125: {  	[tilespmem:$0x1A750] =	vst v1;
	s21 =	sshra.s32 s21, $0x4;
	s22 =	simm.s32 @!p0 $0x0  }
0x126: {  	[tilespmem:$0x1A760] =	vst v1;
	s23 =	ssub.s32 s21, s22  }
0x127: {  	[tilespmem:$0x1A770] =	vst v1;
	p1 =	sgt.s32 s23, $0xFFFFFFFF  }
.Ltmp5:
0x128: {  	[tilespmem:$0x1A780] =	vst v1;
	(pc) =	sbr.rel @!p1 .LBB2_9-.Ltmp5, $4  }
0x129: {  	[tilespmem:$0x1A790] =	vst v1  }
0x12a: {  	[tilespmem:$0x1A7A0] =	vst v1  }
0x12b: {  	[tilespmem:$0x1A7B0] =	vst v1;
	s22 =	simm.s32 $0xFFFFFFFF  }
0x12c: {  	[tilespmem:$0x1A7C0] =	vst v1;
	s22 =	simm.s32 @!p0 $0x0  }
0x12d: {  	s24 =	sadd.s32 s22, s21  }
0x12e: {  	s25 =	sadd.s32 $0x1, s24  }
0x12f: {  	p0 =	seq.s32 s25, $0x1  }
.Ltmp6:
0x130: {  	_ = 	snop;
	(pc) =	sbr.rel @p0 .LBB2_22-.Ltmp6, $3  }
0x131: {  	_ =	sdelay $0x1  }
0x132: {  	s24 =	simm.s32 $0x0  }
0x133: {  	v7 =	vld [tilespmem:s24+$0x0];
	s25 =	sadd.s32 $0xFFFFFFFF, s25  }
.LBB2_21:
0x134: {  	p0 =	seq.s32 s25, $0x1;
	_ =	sdelay $0x3  }
0x135: {  	(xrf1) =	vunique.msk.u32 $0xffff, v7;
	_ =	sdelay $0xd  }
0x136: {  	_, v8, vm5 =	vpop (xrf1);
	_ =	sdelay $0x2  }
.Ltmp7:
0x137: {  	(pc) =	sbr.rel @!p0 .LBB2_21-.Ltmp7, $3  }
0x138: {  	v8 =	vcvt.s32.f32 v8;
	_ =	sdelay $0x1  }
0x139: {  	s24 =	sadd.s32 $0x10, s24;
	[tilespmem:v7+s19+$0x0] =	vst.idx.add.f32.msk vm5, v8  }
0x13a: {  	s25 =	sadd.s32 $0xFFFFFFFF, s25;
	v7 =	vld [tilespmem:s24+$0x0]  }
.LBB2_22:
0x13b: {  	_ =	sdelay $0x3  }
0x13c: {  	(xrf1) =	vunique.msk.u32 $0xffff, v7;
	_ =	sdelay $0xd  }
0x13d: {  	_, v8, vm5 =	vpop (xrf1);
	_ =	sdelay $0x3  }
0x13e: {  	v8 =	vcvt.s32.f32 v8;
	_ =	sdelay $0x1  }
0x13f: {  	[tilespmem:v7+s19+$0x0] =	vst.idx.add.f32.msk vm5, v8  }
.LBB2_9:
0x140: {  	s29 =	simm.s32 $0x0  }
0x141: {  	v8 =	vld [tilespmem:s29+$0x1A680]  }
0x142: {  	s26 =	simm.s32 $0x10  }
0x143: {  	s24 =	simm.s32 $0x20;
	v10 =	vld [tilespmem:s26+$0x1A680]  }
0x144: {  	v11 =	vld [tilespmem:s24+$0x1A680];
	_ =	sdelay $0x1  }
0x145: {  	(xrf2) =	vadd.scan.msk.f32 $0xffff, v8;
	_ =	sdelay $0x1  }
0x146: {  	(xrf2) =	vadd.scan.msk.f32 $0xffff, v10  }
0x147: {  	(xrf2) =	vadd.scan.msk.f32 $0xffff, v11;
	_ =	sdelay $0x6  }
0x148: {  	v12, _, _ =	vpop (xrf2)  }
0x149: {  	(v2sf) =	vpush v12, $0xF  }
0x14a: {  	s25 =	simm.s32 $0x30;
	v9 =	vsub.f32 v12, v8;
	v8, _, _ =	vpop (xrf2)  }
0x14b: {  	v7 =	vld [tilespmem:s25+$0x1A680];
	(v2sf) =	vpush v8, $0xF;
	v63, _, _ =	vpop (xrf2)  }
0x14c: {  	(v2sf) =	vpush v63, $0xF;
	_ =	sdelay $0x3  }
0x14d: {  	s28 =	simm.s32 $0x40;
	(xrf2) =	vadd.scan.msk.f32 $0xffff, v7  }
0x14e: {  	v10 =	vsub.f32 v8, v10;
	v8 =	vld [tilespmem:s28+$0x1A680];
	_ =	sdelay $0x3  }
0x14f: {  	s30 =	simm.f32 $0.0e+00;
	s31 =	simm.s32 $0x140;
	v11 =	vsub.f32 v63, v11  }
.LBB2_10:
0x150: {  	s1 =	sshra.s32 s31, $0x2;
	p0 =	seq.s32 s31, $0x500;
	s31 =	sadd.s32 $0x40, s31;
	(xrf2) =	vadd.scan.msk.f32 $0xffff, v8;
	v12 =	vadd.f32 s30, v9;
	v13 =	vmov v8;
	v9 =	vmov v10  }
.Ltmp8:
0x151: {  	v8 =	vld [tilespmem:s1+$0x1A680];
	v10 =	vmov v11;
	(pc) =	sbr.rel @!p0 .LBB2_10-.Ltmp8, $4  }
0x152: {  	[tilespmem:s29+$0x1A800] =	vst v12;
	s0 =	spop (v2sf)  }
0x153: {  	[tilespmem:s29+$0x1A980] =	vst v12;
	s30 =	sadd.f32 s0, s30;
	s29 =	smov.u32 s26;
	s26 =	smov.u32 s24  }
0x154: {  	s24 =	smov.u32 s25;
	s25 =	smov.u32 s28;
	s28 =	smov.u32 s1;
	v12, _, _ =	vpop (xrf2)  }
0x155: {  	v11 =	vsub.f32 v12, v7;
	(v2sf) =	vpush v12, $0xF;
	v7 =	vmov v13  }
0x156: {  	(xrf2) =	vadd.scan.msk.f32 $0xffff, v8;
	_ =	sdelay $0x3  }
0x157: {  	v12, _, _ =	vpop (xrf2)  }
0x158: {  	(v2sf) =	vpush v12, $0xF;
	_ =	sdelay $0x4  }
0x159: {  	v13, _, _ =	vpop (xrf2)  }
0x15a: {  	(v2sf) =	vpush v13, $0xF;
	_ =	sdelay $0x2  }
0x15b: {  	s0 =	spop (v2sf)  }
0x15c: {  	v9 =	vadd.f32 s30, v9;
	s0 =	sadd.f32 s0, s30  }
0x15d: {  	s1 =	spop (v2sf)  }
0x15e: {  	[tilespmem:s29+$0x1A800] =	vst v9;
	v10 =	vadd.f32 s0, v10;
	s0 =	sadd.f32 s1, s0  }
0x15f: {  	[tilespmem:s29+$0x1A980] =	vst v9;
	s29 =	spop (v2sf)  }
0x160: {  	v7 =	vsub.f32 v12, v7;
	[tilespmem:s26+$0x1A800] =	vst v10;
	v63 =	vadd.f32 s0, v11;
	s0 =	sadd.f32 s29, s0  }
0x161: {  	[tilespmem:s26+$0x1A980] =	vst v10;
	s30 =	spop (v2sf)  }
0x162: {  	p0 =	slt.s32 s23, $0x0;
	[tilespmem:s24+$0x1A800] =	vst v63;
	v8 =	vsub.f32 v13, v8;
	v7 =	vadd.f32 s0, v7;
	s0 =	sadd.f32 s30, s0  }
.Ltmp9:
0x163: {  	[tilespmem:s24+$0x1A980] =	vst v63;
	(pc) =	sbr.rel @p0 .LBB2_15-.Ltmp9, $4  }
0x164: {  	[tilespmem:s25+$0x1A800] =	vst v7;
	v8 =	vadd.f32 s0, v8  }
0x165: {  	[tilespmem:s25+$0x1A980] =	vst v7  }
0x166: {  	[tilespmem:s28+$0x1A800] =	vst v8  }
0x167: {  	[tilespmem:s28+$0x1A980] =	vst v8;
	s31 =	spop (v2sf)  }
0x168: {  	s21 =	sadd.s32 s22, s21  }
0x169: {  	s24 =	sadd.s32 $0x1, s21  }
0x16a: {  	p0 =	sne.s32 s24, $0x1  }
.Ltmp10:
0x16b: {  	_ = 	snop;
	(pc) =	sbr.rel @!p0 .LBB2_14-.Ltmp10, $4  }
0x16c: {  	s21 =	simm.s32 $0x0  }
0x16d: {  	s23 =	simm.s32 $0xA900;
	v7 =	vld [tilespmem:s21+$0x0]  }
0x16e: {  	s22 =	simm.s32 $0x5480;
	v8 =	vld [tilespmem:s23+$0x0]  }
0x16f: {  	v9 =	vld [tilespmem:s22+$0x0];
	s24 =	sadd.s32 $0xFFFFFFFF, s24  }
.LBB2_13:
0x170: {  	p0 =	sne.s32 s24, $0x1;
	_ =	sdelay $0x1  }
0x171: {  	(xrf1) =	vunique.msk.u32 $0xffff, v7;
	_ =	sdelay $0xa  }
0x172: {  	v10 =	vld.idx.msk [tilespmem:v7+s17+$0x0], $0xffff;
	_ =	sdelay $0x2  }
0x173: {  	_, v11, vm5 =	vpop (xrf1)  }
0x174: {  	v11 =	vcvt.s32.f32 v11;
	_ =	sdelay $0x1  }
0x175: {  	v10 =	vadd.f32 v11, v10;
	_ =	sdelay $0x1  }
0x176: {  	v10 =	vtrunc.f32 v10  }
0x177: {  	v10 =	vcvt.f32.s32 v10;
	_ =	sdelay $0x1  }
0x178: {  	v10 =	vadd.s32 $0xFFFFFFFF, v10;
	_ =	sdelay $0x4  }
0x179: {  	[tilespmem:v10+s10+$0x0] =	vst.idx.msk $0xffff, v9  }
.Ltmp11:
0x17a: {  	[tilespmem:v10+s18+$0x0] =	vst.idx.msk $0xffff, v8;
	(pc) =	sbr.rel @p0 .LBB2_13-.Ltmp11, $4  }
0x17b: {  	s21 =	sadd.s32 $0x10, s21;
	[tilespmem:v7+s17+$0x0] =	vst.idx.add.f32.msk vm5, v11  }
0x17c: {  	s23 =	sadd.s32 $0x10, s23;
	v7 =	vld [tilespmem:s21+$0x0]  }
0x17d: {  	s22 =	sadd.s32 $0x10, s22;
	v8 =	vld [tilespmem:s23+$0x0]  }
0x17e: {  	s24 =	sadd.s32 $0xFFFFFFFF, s24;
	v9 =	vld [tilespmem:s22+$0x0]  }
.LBB2_14:
0x17f: {  	_ =	sdelay $0x1  }
0x180: {  	(xrf1) =	vunique.msk.u32 $0xffff, v7;
	_ =	sdelay $0xb  }
0x181: {  	v10 =	vld.idx.msk [tilespmem:v7+s17+$0x0], $0xffff;
	_ =	sdelay $0x1  }
0x182: {  	_, v11, vm5 =	vpop (xrf1)  }
0x183: {  	v11 =	vcvt.s32.f32 v11;
	_ =	sdelay $0x1  }
0x184: {  	v10 =	vadd.f32 v11, v10;
	_ =	sdelay $0x1  }
0x185: {  	v10 =	vtrunc.f32 v10  }
0x186: {  	v10 =	vcvt.f32.s32 v10;
	_ =	sdelay $0x1  }
0x187: {  	v10 =	vadd.s32 $0xFFFFFFFF, v10;
	_ =	sdelay $0x4  }
0x188: {  	[tilespmem:v10+s10+$0x0] =	vst.idx.msk $0xffff, v9  }
0x189: {  	[tilespmem:v10+s18+$0x0] =	vst.idx.msk $0xffff, v8  }
0x18a: {  	[tilespmem:v7+s17+$0x0] =	vst.idx.add.f32.msk vm5, v11  }
.LBB2_15:
0x18b: {  	s22 =	simm.s32 $0x40;
	s21 =	simm.s32 $0x0  }
.LBB2_16:
0x18c: {  	p0 =	sne.s32 s22, $0x9C00;
	[tilespmem:s21+$0x0] =	vst v4;
	s0 =	smov.u32 s22;
	s22 =	sadd.s32 $0x40, s22  }
.Ltmp12:
0x18d: {  	(pc) =	sbr.rel @p0 .LBB2_16-.Ltmp12, $2  }
0x18e: {  	_ =	sdelay $0x2  }
0x18f: {  	s21 =	sshra.s32 s0, $0x2  }
0x190: {  	v7 =	vnsel vm0, $0x0, v6  }
0x191: {  	(xrf2) =	vadd.scan.msk.f32 $0xffff, v7;
	v7 =	vsel vm1, $0x0, v6  }
0x192: {  	(xrf2) =	vadd.scan.msk.f32 $0xffff, v7;
	v7 =	vsel vm2, $0x0, v6  }
0x193: {  	(xrf2) =	vadd.scan.msk.f32 $0xffff, v7;
	v7 =	vsel vm3, $0x0, v6  }
0x194: {  	v6 =	vsel vm4, $0x0, v6;
	(xrf2) =	vadd.scan.msk.f32 $0xffff, v7  }
0x195: {  	(xrf2) =	vadd.scan.msk.f32 $0xffff, v6;
	_ =	sdelay $0x5  }
0x196: {  	v6, _, _ =	vpop (xrf2)  }
.Ltmp13:
0x197: {  	v7, _, _ =	vpop (xrf2);
	(pc) =	sbr.rel .LBB2_18-.Ltmp13, $4  }
0x198: {  	v8, _, _ =	vpop (xrf2)  }
0x199: {  	v6 =	vbroadcast v6, $0xF;
	v9, _, _ =	vpop (xrf2)  }
0x19a: {  	v7 =	vbroadcast v7, $0xF;
	v8 =	vbroadcast v8, $0xF;
	v10, _, _ =	vpop (xrf2)  }
0x19b: {  	[tilespmem:s21+$0x0] =	vst v4;
	s21 =	simm.s32 $0x0;
	v9 =	vbroadcast v9, $0xF;
	v10 =	vbroadcast v10, $0xF  }
.LBB2_19:
0x19c: {  	v13 =	vimm.f32 $0.0e+00  }
0x19d: {  	v12 =	vimm.f32 $+Inf;
	v11 =	vimm.f32 $-Inf;
	v14 =	vimm.f32 $0.0e+00  }
.LBB2_37:
0x19e: {  	(xrf2) =	vadd.scan.msk.f32 $0xffff, v13;
	_ =	sdelay $0x9  }
0x19f: {  	v13, _, _ =	vpop (xrf2)  }
0x1a0: {  	(xrf2) =	vadd.scan.msk.f32 $0xffff, v14;
	v13 =	vbroadcast v13, $0xF;
	_ =	sdelay $0x1  }
0x1a1: {  	v53 =	vmax.f32 v13, $1.000000000e+00  }
0x1a2: {  	(xrf0) =	vmax.scan.msk.f32 $0xffff, v11;
	(erf) = vrcp.f32 v53;
	_ =	sdelay $0x3  }
0x1a3: {  	(xrf0) =	vmin.scan.msk.f32 $0xffff, v12;
	_ =	sdelay $0x1  }
0x1a4: {  	v11, _, _ =	vpop (xrf0)  }
0x1a5: {  	v54, _, _ =	vpop (xrf2)  }
0x1a6: {  	v11 =	vbroadcast v11, $0xF;
	v12 =	vbroadcast v54, $0xF  }
0x1a7: {  	vm5 =	veq.f32 v13, $0.0e+00;
	v55 =	vpop (erf)  }
0x1a8: {  	v56, _, _ =	vpop (xrf0);
	v11 =	vsel vm5, $0x0, v11;
	v13 =	vmul.f32 v55, v12  }
0x1a9: {  	v14 =	vbroadcast v56, $0xF;
	(erf) = vrcp.f32 v11  }
0x1aa: {  	(erf) = vrcp.f32 v13  }
0x1ab: {  	v11 =	vsel vm5, $0x0, v14  }
0x1ac: {  	(erf) = vrcp.f32 v11;
	_ =	sdelay $0x1  }
0x1ad: {  	(erf) = vrcp.f32 v12;
	_ =	sdelay $0x3  }
0x1ae: {  	v11 =	vpop (erf)  }
0x1af: {  	v57 =	vpop (erf)  }
0x1b0: {  	vm5 =	veq.f32 v11, $+Inf;
	vm6 =	veq.f32 v57, $+Inf  }
0x1b1: {  	v11 =	vsel vm5, $0x3F800000, v11;
	v58 =	vpop (erf);
	v12 =	vsel vm6, $0x3F800000, v57  }
0x1b2: {  	v11 =	vmul.f32 v11, v6;
	vm5 =	veq.f32 v58, $+Inf;
	v12 =	vmul.f32 v12, v7  }
0x1b3: {  	v59 =	vpop (erf);
	v13 =	vsel vm5, $0x3F800000, v58  }
0x1b4: {  	vm5 =	veq.f32 v59, $+Inf;
	v60 =	vmul.f32 v13, v8;
	v11 =	vadd.f32 v12, v11  }
0x1b5: {  	v61 =	vsel vm5, $0x3F800000, v59  }
0x1b6: {  	v63 =	vmov s21;
	s21 =	sadd.s32 $0x1, s21;
	v62 =	vmul.f32 v61, v9;
	v11 =	vadd.f32 v11, v60  }
0x1b7: {  	p0 =	sne.s32 s21, $0x140  }
.Ltmp14:
0x1b8: {  	v11 =	vadd.f32 v11, v62;
	(pc) =	sbr.rel @!p0 .LBB2_38-.Ltmp14, $3  }
0x1b9: {  	_ = 	snop  }
0x1ba: {  	v11 =	vadd.f32 v11, v10;
	_ =	sdelay $0x1  }
0x1bb: {  	[tilespmem:v63+s16+$0x0] =	vst.idx.msk $0x1, v11  }
.LBB2_18:
0x1bc: {  	v11 =	vld [tilespmem:s21+$0x1A980];
	_ =	sdelay $0x4  }
0x1bd: {  	v12 =	vnsel vm0, $0x0, v11  }
0x1be: {  	v11 =	vsel vm1, $0x0, v11;
	(xrf2) =	vadd.scan.msk.f32 $0xffff, v12  }
0x1bf: {  	(xrf2) =	vadd.scan.msk.f32 $0xffff, v11;
	_ =	sdelay $0x8  }
0x1c0: {  	v11, _, _ =	vpop (xrf2)  }
0x1c1: {  	(v2sf) =	vpush v11, $0xF;
	v11, _, _ =	vpop (xrf2)  }
0x1c2: {  	(v2sf) =	vpush v11, $0xF;
	_ =	sdelay $0xd  }
0x1c3: {  	s0 =	spop (v2sf)  }
0x1c4: {  	s1 =	spop (v2sf)  }
0x1c5: {  	s22 =	scvt.f32.s32 s0;
	s29 =	scvt.f32.s32 s1  }
0x1c6: {  	_ = 	snop  }
0x1c7: {  	s23 =	ssub.s32 s29, s22  }
0x1c8: {  	s0 =	sadd.s32 $0xF, s23  }
0x1c9: {  	s30 =	sand.u32 $0xF, s0  }
0x1ca: {  	s31 =	sshra.s32 s0, $0x1F;
	p1 =	slt.s32 s0, $0x1;
	p0 =	sne.s32 s30, $0x0  }
0x1cb: {  	s1 =	sshrl.u32 s31, $0x1C;
	p0 =	por !p1, !p0  }
0x1cc: {  	s0 =	sadd.s32 s1, s0;
	s1 =	simm.s32 $0x1;
	p0 =	por !p0, !p0  }
0x1cd: {  	s0 =	sshra.s32 s0, $0x4;
	s1 =	simm.s32 @!p0 $0x0  }
0x1ce: {  	s25 =	ssub.s32 s0, s1  }
0x1cf: {  	p0 =	slt.s32 s25, $0x1  }
.Ltmp15:
0x1d0: {  	_ = 	snop;
	(pc) =	sbr.rel @p0 .LBB2_19-.Ltmp15, $1  }
0x1d1: {  	_ =	sdelay $0x3  }
0x1d2: {  	s0 =	sshll.u32 s22, $0x2  }
0x1d3: {  	s26 =	sshra.s32 s0, $0x2  }
0x1d4: {  	s1 =	sadd.s32 s3, s21;
	s28 =	smov.u32 s23;
	s24 =	sadd.s32 $0xFD80, s26  }
0x1d5: {  	s29 =	smov.u32 s22;
	s31 =	smov.u32 s25;
	v11 =	vmov s1;
	s30 =	smov.u32 s24  }
.LBB2_24:
0x1d6: {  	v12 =	vld [tilespmem:s30+$0x0];
	_ =	sdelay $0x2  }
0x1d7: {  	v13 =	vmov s28  }
0x1d8: {  	vm5 =	vgt.s32 v13, v5  }
0x1d9: {  	v12 =	vnsel vm5, $0x0, v12  }
0x1da: {  	(xrf1) =	vunique.msk.u32 vm5, v12;
	_ =	sdelay $0xd  }
0x1db: {  	_, v62, vm6 =	vpop (xrf1)  }
0x1dc: {  	vm5 =	vmand vm5, vm6;
	_ =	sdelay $0x5  }
0x1dd: {  	v13 =	vld.idx.msk [tilespmem:v12+s2+$0x0], vm5;
	_ =	sdelay $0x4  }
0x1de: {  	vm6 =	vne.s32 v13, v11  }
0x1df: {  	vm6 =	vmand vm6, vm5;
	_ =	sdelay $0x2  }
0x1e0: {  	p0 =	sne.s32 s31, $0x1  }
.Ltmp16:
0x1e1: {  	_ = 	snop;
	(pc) =	sbr.rel @p0 .LBB2_24-.Ltmp16, $4  }
0x1e2: {  	_ = 	snop  }
0x1e3: {  	[tilespmem:v12+s2+$0x0] =	vst.idx.msk vm6, v11  }
0x1e4: {  	v63 =	vadd.s32 s29, v5;
	s30 =	sadd.s32 $0x10, s30;
	[tilespmem:v12+s14+$0x0] =	vst.idx.msk vm6, v1  }
0x1e5: {  	s29 =	sadd.s32 $0x10, s29;
	s28 =	sadd.s32 $0xFFFFFFF0, s28;
	s31 =	sadd.s32 $0xFFFFFFFF, s31;
	[tilespmem:v12+s15+$0x0] =	vst.idx.msk vm5, v63  }
0x1e6: {  	s26 =	sadd.s32 $0x15200, s26  }
0x1e7: {  	s28 =	smov.u32 s23;
	s29 =	smov.u32 s24;
	s30 =	smov.u32 s25  }
.LBB2_26:
0x1e8: {  	v11 =	vld [tilespmem:s29+$0x0]  }
0x1e9: {  	v12 =	vld [tilespmem:s26+$0x0];
	_ =	sdelay $0x2  }
0x1ea: {  	v13 =	vmov s28  }
0x1eb: {  	vm5 =	vgt.s32 v13, v5;
	v11 =	vxor.u32 $0x80000000, v11  }
0x1ec: {  	v12 =	vnsel vm5, $0x0, v12;
	v11 =	vnsel vm5, $0x80000000, v11  }
0x1ed: {  	(xrf1) =	vsort.ascd.msk.u32 vm5, v11, v12;
	_ =	sdelay $0xd  }
0x1ee: {  	v11, v12, vm5 =	vpop (xrf1)  }
0x1ef: {  	v11 =	vxor.u32 $0x80000000, v11  }
0x1f0: {  	(xrf1) =	vunique.msk.u32 vm5, v11;
	_ =	sdelay $0x9  }
0x1f1: {  	v12 =	vnsel vm5, $0x0, v12  }
0x1f2: {  	(xrf2) =	vadd.scan.msk.f32 $0xffff, v12;
	_ =	sdelay $0x2  }
0x1f3: {  	_, v62, vm6 =	vpop (xrf1)  }
0x1f4: {  	v12 =	vsub.s32 v5, v62  }
0x1f5: {  	vm7 =	vgt.s32 v12, $0x0  }
0x1f6: {  	v63 =	vnsel vm7, $0x0, v12  }
0x1f7: {  	v13 =	vadd.s32 $0x140, v63;
	_ =	sdelay $0x2  }
0x1f8: {  	v14, _, _ =	vpop (xrf2)  }
0x1f9: {  	[tilespmem:$0x1ACC0] =	vst v14  }
0x1fa: {  	v13 =	vld.idx.msk [tilespmem:v13+s16+$0x0], $0xffff;
	_ =	sdelay $0x1  }
0x1fb: {  	vm6 =	vmand vm5, vm6  }
0x1fc: {  	p0 =	sne.s32 s30, $0x1;
	v11 =	vnsel vm5, $0x0, v11  }
.Ltmp17:
0x1fd: {  	vm5 =	vgt.s32 v12, $0xFFFFFFFF;
	(pc) =	sbr.rel @p0 .LBB2_26-.Ltmp17, $4  }
0x1fe: {  	v12 =	vnsel vm5, $0x0, v13  }
0x1ff: {  	v12 =	vsub.f32 v14, v12  }
0x200: {  	s29 =	sadd.s32 $0x10, s29  }
0x201: {  	s26 =	sadd.s32 $0x10, s26;
	s28 =	sadd.s32 $0xFFFFFFF0, s28;
	s30 =	sadd.s32 $0xFFFFFFFF, s30;
	[tilespmem:v11+s14+$0x0] =	vst.idx.add.f32.msk vm6, v12  }
0x202: {  	p3 =	sne.s32 s25, $0x1  }
.Ltmp18:
0x203: {  	_ = 	snop;
	(pc) =	sbr.rel @!p3 .LBB2_28-.Ltmp18, $3  }
0x204: {  	_ =	sdelay $0x1  }
0x205: {  	s25 =	sadd.s32 $0xFFFFFFFF, s25  }
0x206: {  	v11 =	vimm.f32 $0.0e+00;
	v13 =	vimm.f32 $-Inf;
	v12 =	vimm.f32 $+Inf;
	p0 =	por $0x0, $0x0;
	p1 =	por $0x0, $0x0;
	p2 =	por $0x0, $0x0  }
0x207: {  	v14 =	vld [tilespmem:s24+$0x0];
	p3 =	sne.s32 s25, $0x1  }
.Ltmp19:
0x208: {  	_ = 	snop;
	(pc) =	sbr.rel @!p3 .LBB2_30-.Ltmp19, $4  }
0x209: {  	_ = 	snop  }
0x20a: {  	v15 =	vmov s23  }
0x20b: {  	vm6 =	vgt.s32 v15, v5  }
0x20c: {  	s26 =	sadd.s32 $0xFFFFFFFF, s25;
	s24 =	sadd.s32 $0x10, s24;
	p0 =	por $0x1, $0x1;
	v14 =	vnsel vm6, $0x0, v14  }
0x20d: {  	_ = 	snop  }
0x20e: {  	v17 =	vld [tilespmem:s24+$0x0];
	p3 =	sne.s32 s26, $0x1  }
.Ltmp20:
0x20f: {  	_ = 	snop;
	(pc) =	sbr.rel @!p3 .LBB2_32-.Ltmp20, $4  }
0x210: {  	s25 =	sadd.s32 $0xFFFFFFF0, s23  }
0x211: {  	v16 =	vmov s25  }
0x212: {  	v15 =	vld.idx.msk [tilespmem:v14+s15+$0x0], vm6;
	vm5 =	vmmov vm6;
	vm7 =	vgt.s32 v16, v5  }
0x213: {  	s26 =	sadd.s32 $0xFFFFFFFF, s26;
	s24 =	sadd.s32 $0x10, s24;
	p1 =	por $0x1, $0x1;
	vm5 =	vmmov vm5;
	v16 =	vld.idx.msk [tilespmem:v14+s14+$0x0], vm6;
	v14 =	vnsel vm7, $0x0, v17  }
0x214: {  	_ =	sdelay $0x1  }
0x215: {  	v21 =	vld [tilespmem:s24+$0x0]  }
0x216: {  	s25 =	sadd.s32 $0xFFFFFFF0, s25;
	v17 =	vadd.s32 s22, v5;
	p3 =	sne.s32 s26, $0x1  }
.Ltmp21:
0x217: {  	vm8 =	vmmov vm7;
	v19 =	vmov s25;
	vm6 =	veq.s32 v15, v17;
	(pc) =	sbr.rel @!p3 .LBB2_34-.Ltmp21, $4  }
0x218: {  	v18 =	vld.idx.msk [tilespmem:v14+s15+$0x0], vm7;
	vm9 =	vmand vm5, vm6;
	v17 =	vmax.f32 v13, v16;
	v20 =	vmin.f32 v12, v16  }
0x219: {  	vm6 =	vgt.s32 v19, v5;
	v19 =	vld.idx.msk [tilespmem:v14+s14+$0x0], vm7;
	vm7 =	vmmov vm8;
	v17 =	vsel vm9, v17, v13  }
0x21a: {  	s28 =	sadd.s32 $0xFFFFFFFF, s26;
	v14 =	vnsel vm6, $0x0, v21;
	v21 =	vsel vm9, $0x3F800000, v1;
	v22 =	vnsel vm9, $0x0, v16  }
0x21b: {  	s24 =	sadd.s32 $0x10, s24;
	p2 =	por $0x1, $0x1;
	s26 =	smov.u32 s22;
	v20 =	vsel vm9, v20, v12;
	v21 =	vadd.f32 v21, v11;
	v22 =	vadd.f32 v22, v11  }
.LBB2_35:
0x21c: {  	p3 =	sne.s32 s28, $0x1;
	v23 =	vld [tilespmem:s24+$0x0];
	s26 =	sadd.s32 $0x10, s26;
	vm8 =	vmmov vm6  }
0x21d: {  	s25 =	sadd.s32 $0xFFFFFFF0, s25;
	v24 =	vadd.s32 s26, v5  }
.Ltmp22:
0x21e: {  	v25 =	vmov s25;
	vm9 =	veq.s32 v18, v24;
	(pc) =	sbr.rel @p3 .LBB2_35-.Ltmp22, $4  }
0x21f: {  	v24 =	vmax.f32 v17, v19;
	v26 =	vmin.f32 v20, v19;
	v27 =	vmovc v19;
	v18 =	vld.idx.msk [tilespmem:v14+s15+$0x0], vm6;
	vm7 =	vmand vm7, vm9  }
0x220: {  	v19 =	vld.idx.msk [tilespmem:v14+s14+$0x0], vm6;
	vm6 =	vgt.s32 v25, v5;
	v17 =	vsel vm7, v24, v17;
	v20 =	vsel vm7, v26, v20  }
0x221: {  	v24 =	vnsel vm7, $0x0, v27;
	v14 =	vnsel vm6, $0x0, v23;
	v23 =	vsel vm7, $0x3F800000, v1  }
0x222: {  	s28 =	sadd.s32 $0xFFFFFFFF, s28;
	s24 =	sadd.s32 $0x10, s24;
	v22 =	vadd.f32 v24, v22;
	vm7 =	vmmov vm8;
	v21 =	vadd.f32 v23, v21  }
.LBB2_36:
0x223: {  	_ =	sdelay $0x1  }
0x224: {  	s0 =	sadd.s32 @p2 $0x10, s26;
	s1 =	smov.u32 s22;
	v23 =	vld [tilespmem:s24+$0x0]  }
0x225: {  	s1 =	smov.u32 @p2 s0;
	s0 =	sadd.s32 @p0 $0xFFFFFFF0, s25  }
0x226: {  	v24 =	vadd.s32 @p1 s1, v5;
	s23 =	smov.u32 @p0 s0  }
0x227: {  	vm8 =	vmmov @p0 vm6;
	vm9 =	veq.s32 @p1 v18, v24;
	v18 =	vld.idx.msk @p0 [tilespmem:v14+s15+$0x0], vm6;
	v59 =	vmov s23  }
0x228: {  	v25 =	vmax.f32 @p1 v17, v19;
	v14 =	vld.idx.msk @p0 [tilespmem:v14+s14+$0x0], vm6;
	vm7 =	vmand @p1 vm7, vm9;
	vm6 =	vgt.s32 v59, v5  }
0x229: {  	v26 =	vmin.f32 @p1 v20, v19;
	v17 =	vsel @p1 vm7, v25, v17;
	v23 =	vnsel vm6, $0x0, v23  }
0x22a: {  	v20 =	vsel @p1 vm7, v26, v20;
	v24 =	vsel @p1 vm7, $0x3F800000, v1;
	v19 =	vnsel @p1 vm7, $0x0, v19  }
0x22b: {  	s0 =	sadd.s32 @p1 $0x10, s1;
	s1 =	smov.u32 s22;
	vm7 =	vmmov @p0 vm8;
	v21 =	vadd.f32 @p1 v24, v21;
	v19 =	vadd.f32 @p1 v19, v22  }
0x22c: {  	s1 =	smov.u32 @p1 s0;
	vm5 =	vmmov @p0 vm7;
	v17 =	vpsel p1, v17, v13;
	v15 =	vpsel p0, v18, v15  }
0x22d: {  	v14 =	vpsel p0, v14, v16;
	v16 =	vadd.s32 @p0 s1, v5;
	v18 =	vpsel p1, v20, v12  }
0x22e: {  	v20 =	vpsel p1, v21, v11;
	vm7 =	veq.s32 @p0 v15, v16;
	v15 =	vpsel p1, v19, v11;
	v60 =	vld.idx.msk [tilespmem:v23+s15+$0x0], vm6  }
0x22f: {  	v19 =	vmax.f32 @p0 v17, v14;
	v21 =	vmin.f32 @p0 v18, v14;
	vm5 =	vmand @p0 vm5, vm7;
	v61 =	vld.idx.msk [tilespmem:v23+s14+$0x0], vm6  }
0x230: {  	s0 =	sadd.s32 @p0 $0x10, s1;
	vm7 =	vmmov vm6;
	v17 =	vsel @p0 vm5, v19, v17;
	v19 =	vsel @p0 vm5, $0x3F800000, v1  }
0x231: {  	s22 =	smov.u32 @p0 s0;
	v18 =	vsel @p0 vm5, v21, v18;
	v14 =	vnsel @p0 vm5, $0x0, v14;
	v19 =	vadd.f32 @p0 v19, v20  }
0x232: {  	vm5 =	vmmov vm7;
	v14 =	vadd.f32 @p0 v14, v15;
	v15 =	vadd.s32 s22, v5  }
.Ltmp23:
0x233: {  	v13 =	vpsel p0, v17, v13;
	v62 =	vpsel p0, v19, v11;
	vm6 =	veq.s32 v60, v15;
	(pc) =	sbr.rel .LBB2_37-.Ltmp23, $4  }
0x234: {  	v14 =	vpsel p0, v14, v11;
	v11 =	vmax.f32 v13, v61;
	vm5 =	vmand vm5, vm6  }
0x235: {  	v12 =	vpsel p0, v18, v12;
	v11 =	vsel vm5, v11, v13;
	v13 =	vsel vm5, $0x3F800000, v1  }
0x236: {  	v15 =	vmin.f32 v12, v61;
	v63 =	vnsel vm5, $0x0, v61;
	v13 =	vadd.f32 v13, v62  }
0x237: {  	v12 =	vsel vm5, v15, v12;
	v14 =	vadd.f32 v63, v14  }
.LBB2_28:
.Ltmp24:
0x238: {  	(pc) =	sbr.rel .LBB2_36-.Ltmp24, $3  }
0x239: {  	_ =	sdelay $0x1  }
0x23a: {  	v17 =	vimm.f32 $-Inf  }
0x23b: {  	s26 =	smov.u32 s22;
	s25 =	smov.u32 s23;
	v20 =	vimm.f32 $+Inf;
	v21 =	vimm.f32 $0.0e+00;
	v22 =	vimm.f32 $0.0e+00  }
.LBB2_30:
.Ltmp25:
0x23c: {  	(pc) =	sbr.rel .LBB2_36-.Ltmp25, $3  }
0x23d: {  	_ =	sdelay $0x1  }
0x23e: {  	v17 =	vimm.f32 $-Inf  }
0x23f: {  	s26 =	smov.u32 s22;
	s25 =	smov.u32 s23;
	v20 =	vimm.f32 $+Inf;
	v21 =	vimm.f32 $0.0e+00;
	v22 =	vimm.f32 $0.0e+00  }
.LBB2_32:
.Ltmp26:
0x240: {  	_ = 	snop;
	(pc) =	sbr.rel .LBB2_36-.Ltmp26, $3  }
0x241: {  	_ =	sdelay $0x1  }
0x242: {  	v17 =	vimm.f32 $-Inf;
	vm6 =	vmmov vm7;
	vm7 =	vmmov vm5  }
0x243: {  	s26 =	smov.u32 s22;
	v20 =	vimm.f32 $+Inf;
	v21 =	vimm.f32 $0.0e+00;
	v22 =	vimm.f32 $0.0e+00;
	v18 =	vmovc v15;
	v19 =	vmovc v16  }
.LBB2_34:
.Ltmp27:
0x244: {  	(pc) =	sbr.rel .LBB2_36-.Ltmp27, $2  }
0x245: {  	_ =	sdelay $0x2  }
0x246: {  	s26 =	smov.u32 s22  }
.LBB2_39:
0x247: {  	_ =	sfence.sel $0x180000  }
0x248: {  	[bflag:$0x0] =	sbarrier.arrive $0xFFFF  }
0x249: {  	_ =	strace $0x90000047  }
0x24a: {  	s0 =	stileid.u32;
	[bflag:$0x2] =	sbarrier.arrive $0xFFFF  }
0x24b: {  	p0 =	sne.s32 s0, $0x0;
	s0 =	rddreg [dreg:$0x1]  }
0x24c: {  	s0 =	sadd.s32 @!p0 $0x100000, s0  }
0x24d: {  	[sflag:s0] =	ssyncadd.tile.s32 @!p0 $0x1;
	_ =	shalt  }
.Lfunc_end2:
_tile_overlayer_lowered:
.L_overlay_start_2:
0x24e: {  	(tag) =	ssettag $0x2  }
0x24f: {  	s0 =	rddreg [dreg:$0x0];
	s2 =	stileid.u32  }
0x250: {  	s1 =	rddreg [dreg:$0x1];
	p0 =	sne.s32 s2, $0x0  }
0x251: {  	s3 =	rddreg [dreg:$0x2];
	[bflag:$0x3] =	sbarrier.arrive $0xFFFF;
	s2 =	simm.s32 @!p0 $0x1C03  }
0x252: {  	[timem:s3], [sflag:s2] =	dma.local @!p0 [hbm:s0], s1  }
0x253: {  	s0 =	simm.s32 @!p0 $0x3  }
0x254: {  	_ =	swait.ge @!p0 [sflag:s0], s1  }
0x255: {  	s1 =	ssub.s32 @!p0 $0x0, s1;
	[sflag:s0] =	ssyncset.done @!p0 $0x0  }
0x256: {  	[sflag:s0] =	ssyncadd.s32 @!p0 s1  }
0x257: {  	[bflag:$0x3] =	sbarrier.arrive $0xFFFF  }
0x258: {  	_ =	shalt  }

// kernel: kernel.8.cloned.1.call-start
scs
__scs_entry_jumppad:
0x0: {  	(pc) =	sbr.rel $0x88, $3  }
0x1: {  	(tag) =	ssettag $0x0;
	lr =	simm.s32 $0x1  }
0x2: {  	[smem:$0x3F99] =	sst lr;
	_ =	strace $0xD0000000  }
0x3: {  	_ = 	snop  }
0x4: {  	_ = 	snop  }
0x5: {  	_ = 	snop  }
0x6: {  	_ = 	snop  }
0x7: {  	_ = 	snop  }
__scs_overlays_trampoline_lowered:
0x8: {  	[smem:$0x3FA8] =	sst s0  }
0x9: {  	[smem:$0x3FA9] =	sst s1  }
0xa: {  	[smem:$0x3FAA] =	sst s2  }
0xb: {  	[smem:$0x3FAB] =	sst s3  }
0xc: {  	[smem:$0x3FAC] =	sst s4  }
0xd: {  	[smem:$0x3FAD] =	sst s5  }
0xe: {  	[smem:$0x3FAE] =	sst s6  }
0xf: {  	[smem:$0x3FAF] =	sst s7  }
0x10: {  	[smem:$0x3FB0] =	sst s8  }
0x11: {  	[smem:$0x3FB1] =	sst s9;
	s0 =	simm.s32 @!p0 $0x0  }
0x12: {  	s1 =	sld [smem:$0x3F97];
	s0 =	simm.s32 @p0 $0x1  }
0x13: {  	[smem:$0x3FB2] =	sst s0;
	s0 =	simm.s32 @!p1 $0x0  }
0x14: {  	s2 =	sld [smem:$0x3F96];
	s0 =	simm.s32 @p1 $0x1  }
0x15: {  	[smem:$0x3FB3] =	sst s0;
	s0 =	simm.s32 @!p2 $0x0  }
0x16: {  	s3 =	sld [smem:$0x3FDB];
	s0 =	simm.s32 @p2 $0x1  }
0x17: {  	s4 =	simm.s32 $0x1BF5;
	[smem:$0x3FB5] =	sst s0  }
0x18: {  	s0 =	sld [smem:$0x3F98];
	_ =	swait.ge [sflag:s4], $0x0  }
0x19: {  	s7 =	sld [smem:$0x3F99]  }
0x1a: {  	s8 =	sadd.s32 $0xFFFFE003, lr  }
0x1b: {  	s9 =	sadd.s32 $0xFFFFFEF7, lr;
	s5 =	simm.s32 $0xFFFFFFFF;
	p2 =	slt.u32 s8, $0xFFFFF086  }
0x1c: {  	p1 =	slt.u32 s9, $0xF7A;
	s5 =	simm.s32 @!p2 $0x0  }
0x1d: {  	s5 =	simm.s32 @p1 $0x1;
	p0 =	seq.s32 s7, s2  }
0x1e: {  	s7 =	smul.u32 @!p0 $0xF7A, s2;
	p2 =	seq.s32 @!p0 s5, $0x0  }
0x1f: {  	s9 =	smul.u32 $0xF7A, s1;
	s8 =	simm.s32 @!p0 $0x1BF5;
	p2 =	por !p2, p0  }
0x20: {  	[sflag:s8] =	ssyncset.s32 @!p0 $0xFFFFF086;
	s6 =	sadd.s32 @!p0 s3, s7;
	s7 =	simm.s32 @!p0 $0x108  }
0x21: {  	s3 =	sadd.s32 s3, s9;
	s6 =	sadd.s32 @!p0 $0x88, s6;
	s7 =	simm.s32 @p2 $0x1082  }
0x22: {  	[simem:s7], [sflag:s8] =	dma.local @!p0 [hbm:s6], $0xF7A  }
0x23: {  	s9 =	sor.u32 $0xD0000000, s2;
	s6 =	simm.s32 $0x108;
	_ =	swait.ge @!p0 [sflag:s8], $0x0  }
0x24: {  	s3 =	sadd.s32 $0x88, s3;
	s6 =	simm.s32 @!p1 $0x1082;
	[sflag:s4] =	ssyncset.s32 $0xFFFFF086  }
0x25: {  	[simem:s6], [sflag:s4] =	dma.local [hbm:s3], $0xF7A  }
0x26: {  	[smem:$0x3F99] =	sst s1;
	(tag) =	ssettag s2;
	_ =	strace s9  }
0x27: {  	s1 =	sld [smem:$0x3FA9]  }
0x28: {  	s2 =	sld [smem:$0x3FAA]  }
0x29: {  	s4 =	sld [smem:$0x3FAC]  }
0x2a: {  	p0 =	seq.s32 s5, $0x0;
	s5 =	sld [smem:$0x3FAD]  }
0x2b: {  	s6 =	sld [smem:$0x3FAE]  }
0x2c: {  	s7 =	sld [smem:$0x3FAF]  }
0x2d: {  	s3 =	simm.s32 $0x108;
	s8 =	sld [smem:$0x3FB0]  }
0x2e: {  	s3 =	simm.s32 @!p0 $0x1082;
	s9 =	sld [smem:$0x3FB1]  }
0x2f: {  	lr =	sadd.s32 s0, s3;
	s0 =	sld [smem:$0x3FA8]  }
0x30: {  	s3 =	sld [smem:$0x3FAB]  }
0x31: {  	[smem:$0x3FB4] =	sst s10  }
0x32: {  	s10 =	sld [smem:$0x3FB2];
	_ =	sdelay $0x3  }
0x33: {  	p0 =	seq.s32 s10, $0x1;
	s10 =	sld [smem:$0x3FB4];
	_ =	sdelay $0x3  }
0x34: {  	[smem:$0x3FB4] =	sst s10  }
0x35: {  	s10 =	sld [smem:$0x3FB3];
	_ =	sdelay $0x3  }
0x36: {  	p1 =	seq.s32 s10, $0x1;
	s10 =	sld [smem:$0x3FB4];
	_ =	sdelay $0x3  }
0x37: {  	[smem:$0x3FB4] =	sst s10  }
0x38: {  	s10 =	sld [smem:$0x3FB5]  }
0x39: {  	_ = 	snop;
	(pc) =	sbr.ind lr, $3  }
0x3a: {  	_ = 	snop  }
0x3b: {  	_ = 	snop  }
0x3c: {  	p2 =	seq.s32 s10, $0x1;
	s10 =	sld [smem:$0x3FB4]  }
0x3d: {  	_ =	shalt  }
0x3e: {  	_ =	shalt  }
0x3f: {  	_ =	shalt  }
0x40: {  	_ =	shalt  }
0x41: {  	_ =	shalt  }
0x42: {  	_ =	shalt  }
0x43: {  	_ =	shalt  }
0x44: {  	_ =	shalt  }
0x45: {  	_ =	shalt  }
0x46: {  	_ =	shalt  }
0x47: {  	_ =	shalt  }
0x48: {  	_ =	shalt  }
0x49: {  	_ =	shalt  }
0x4a: {  	_ =	shalt  }
0x4b: {  	_ =	shalt  }
0x4c: {  	_ =	shalt  }
0x4d: {  	_ =	shalt  }
0x4e: {  	_ =	shalt  }
0x4f: {  	_ =	shalt  }
0x50: {  	_ =	shalt  }
0x51: {  	_ =	shalt  }
0x52: {  	_ =	shalt  }
0x53: {  	_ =	shalt  }
0x54: {  	_ =	shalt  }
0x55: {  	_ =	shalt  }
0x56: {  	_ =	shalt  }
0x57: {  	_ =	shalt  }
0x58: {  	_ =	shalt  }
0x59: {  	_ =	shalt  }
0x5a: {  	_ =	shalt  }
0x5b: {  	_ =	shalt  }
0x5c: {  	_ =	shalt  }
0x5d: {  	_ =	shalt  }
0x5e: {  	_ =	shalt  }
0x5f: {  	_ =	shalt  }
0x60: {  	_ =	shalt  }
0x61: {  	_ =	shalt  }
0x62: {  	_ =	shalt  }
0x63: {  	_ =	shalt  }
0x64: {  	_ =	shalt  }
0x65: {  	_ =	shalt  }
0x66: {  	_ =	shalt  }
0x67: {  	_ =	shalt  }
0x68: {  	_ =	shalt  }
0x69: {  	_ =	shalt  }
0x6a: {  	_ =	shalt  }
0x6b: {  	_ =	shalt  }
0x6c: {  	_ =	shalt  }
0x6d: {  	_ =	shalt  }
0x6e: {  	_ =	shalt  }
0x6f: {  	_ =	shalt  }
0x70: {  	_ =	shalt  }
0x71: {  	_ =	shalt  }
0x72: {  	_ =	shalt  }
0x73: {  	_ =	shalt  }
0x74: {  	_ =	shalt  }
0x75: {  	_ =	shalt  }
0x76: {  	_ =	shalt  }
0x77: {  	_ =	shalt  }
0x78: {  	_ =	shalt  }
0x79: {  	_ =	shalt  }
0x7a: {  	_ =	shalt  }
0x7b: {  	_ =	shalt  }
0x7c: {  	_ =	shalt  }
0x7d: {  	_ =	shalt  }
0x7e: {  	_ =	shalt  }
0x7f: {  	_ =	shalt  }
0x80: {  	_ =	shalt  }
0x81: {  	_ =	shalt  }
0x82: {  	_ =	shalt  }
0x83: {  	_ =	shalt  }
0x84: {  	_ =	shalt  }
0x85: {  	_ =	shalt  }
0x86: {  	_ =	shalt  }
0x87: {  	_ =	shalt  }
.Lfunc_end0:
.L_simem_size_0:
called_computation.1_lowered:
.L_overlay_start_0:
0x88: {  	s2 =	sld [smem:$0x3FD9]  }
0x89: {  	s3 =	sld [smem:$0x3FFE];
	_ =	sdelay $0x1  }
0x8a: {  	s1 =	srdreg.scid  }
0x8b: {  	s0 =	sand.u32 $0x1, s1  }
0x8c: {  	s17 =	sshll.u32 s0, $0xA;
	s2 =	sadd.s32 s3, s2  }
0x8d: {  	s2 =	sadd.s32 s2, s17  }
0x8e: {  	[smem:$0x3FC0] =	sst s2  }
0x8f: {  	_ = 	snop  }
0x90: {  	s2 =	sld [smem:$0x3FD0];
	(tm) =	ssettm $0x1  }
0x91: {  	s18 =	sld [smem:$0x3FFB];
	_ =	sdelay $0x3  }
0x92: {  	_ =	strace s18  }
0x93: {  	s3 =	sld [smem:$0x3FFC];
	_ =	sdelay $0x3  }
0x94: {  	_ =	strace s3  }
0x95: {  	s3 =	sld [smem:$0x3FFD];
	_ =	sdelay $0x3  }
0x96: {  	_ =	strace s3  }
0x97: {  	_ =	strace $0x8FFFFFFF  }
0x98: {  	s19 =	sld [smem:$0x3FDB];
	_ =	sdelay $0x1  }
0x99: {  	s4 =	simm.s32 $_scs_section_size  }
0x9a: {  	s5 =	simm.s32 $_size__tile_overlayer_lowered;
	s6 =	simm.s32 $_tile_overlayer_lowered  }
0x9b: {  	s22 =	simm.s32 $0x1BFF;
	s21 =	sshll.u32 s6, $0x1;
	s3 =	sadd.s32 s4, s19  }
0x9c: {  	s7 =	simm.s32 $0x0;
	s20 =	sshll.u32 s5, $0x1;
	s5 =	sadd.s32 s21, s3  }
0x9d: {  	[timem:s7], [sflag:s22] =	dma.local [hbm:s5], s20  }
0x9e: {  	_ =	swait.ge [sflag:s22], s20  }
0x9f: {  	s4 =	ssub.s32 $0x0, s20;
	[sflag:s22] =	ssyncset.done $0x0  }
0xa0: {  	[sflag:s22] =	ssyncadd.s32 s4;
	_ =	sdelay $0x1  }
0xa1: {  	s23 =	simm.s32 $0x1B8B  }
0xa2: {  	_ =	swait.ge [sflag:s23], $0x1  }
0xa3: {  	[sflag:s23] =	ssyncset.done $0x0  }
0xa4: {  	s25 =	simm.s32 $0x1B8E;
	s24 =	sld [smem:$0x3FFE];
	[sflag:s23] =	ssyncadd.s32 $0xFFFFFFFF  }
0xa5: {  	s26 =	simm.s32 $execute0_lowered;
	[smem:$0x3FD2] =	sst s25  }
0xa6: {  	s5 =	sshll.u32 s26, $0x1;
	_ =	strace $0x80000049;
	[dreg:$0x1] =	wrdreg $0xFFFFFFFF  }
0xa7: {  	s28 =	simm.s32 $_size_execute0_lowered;
	s3 =	sadd.s32 s3, s5;
	[dreg:$0x0] =	wrdreg $0x0  }
0xa8: {  	s5 =	sshll.u32 s28, $0x1;
	[dreg:$0x2] =	wrdreg s3  }
0xa9: {  	[dreg:$0x3] =	wrdreg s5  }
0xaa: {  	[dreg:$0x4] =	wrdreg $0xC0  }
0xab: {  	_ =	task [dreg:s7], $0x5FFFF  }
0xac: {  	[dreg:$0x1] =	wrdreg $0xFFFFFFFF  }
0xad: {  	[dreg:$0x0] =	wrdreg $0x60  }
0xae: {  	[dreg:$0x2] =	wrdreg s24  }
0xaf: {  	[dreg:$0x3] =	wrdreg s2  }
0xb0: {  	[dreg:$0x4] =	wrdreg $0x9  }
0xb1: {  	_ =	task.clear_ibuf [dreg:s7], $0x5FFFF;
	_ =	strace $0x90000049  }
0xb2: {  	s29 =	simm.s32 $0x9;
	_ =	strace $0x8000004B  }
0xb3: {  	_ =	swait.ge [sflag:s29], $0x1  }
0xb4: {  	[sflag:s29] =	ssyncadd.s32 $0xFFFFFFFF  }
0xb5: {  	_ =	strace $0x9000004B  }
0xb6: {  	_ =	sfence  }
0xb7: {  	s30 =	sld [smem:$0x0];
	_ =	sdelay $0x2  }
0xb8: {  	s31 =	sshll.u32 s1, $0xD;
	s1 =	sshrl.u32 s1, $0x2  }
0xb9: {  	s3 =	sand.u32 $0x4000, s31;
	s1 =	sadd.s32 s1, s30  }
0xba: {  	s0 =	sor.u32 s3, s0;
	s1 =	sshll.u32 s1, $0x11  }
0xbb: {  	s0 =	sor.u32 s1, s0  }
0xbc: {  	s0 =	sadd.s32 $0x8F2B, s0  }
0xbd: {  	[sflag:s0] =	ssyncadd.remote.s32 $0x1  }
0xbe: {  	_ =	sfence.sel $0xFFFF  }
0xbf: {  	[dreg:$0x0] =	wrdreg $0xFFFFFFFF;
	(pc) =	sbr.abs _section_cstart, $3  }
0xc0: {  	[dreg:$0x1] =	wrdreg $0xFFFFFFFF  }
0xc1: {  	_ =	task.clear_ibuf [dreg:s7], $0x2FFFF;
	_ =	strace $0x9FFFFFFF  }
0xc2: {  	(tm) =	ssettm $0x7FFFFFFF  }
0xc3: {  	_ =	shalt  }
tec
execute0_lowered:
.L_overlay_start_1:
0x0: {  	(tag) =	ssettag $0x1  }
0x1: {  	s7 =	rddreg [dreg:$0x0]  }
0x2: {  	s1 =	rddreg [dreg:$0x1]  }
0x3: {  	s0 =	rddreg [dreg:$0x2];
	s2 =	simm.s32 $0x0;
	s3 =	srdreg.scid  }
0x4: {  	s12 =	simm.s32 $0x2800;
	s13 =	simm.s32 $0x3000;
	s14 =	simm.s32 $0x3800  }
0x5: {  	s15 =	simm.s32 $0x0;
	[smem:$0x7FF] =	sst s2;
	s8 =	sand.u32 $0x1, s3  }
0x6: {  	s4 =	sadd.s32 $0xB000, s7;
	s3 =	stileid.u32;
	s5 =	sadd.s32 $0x1200, s7  }
0x7: {  	s6 =	sadd.s32 $0x32600, s7;
	s7 =	sadd.s32 $0x32400, s7;
	s9 =	ssub.s32 $0x2, s8  }
0x8: {  	_ =	strace $0x8000004A;
	s11 =	sshll.u32 s3, $0x1;
	s10 =	sshrl.u32 s9, $0x1  }
0x9: {  	s8 =	sor.u32 s8, s11;
	s11 =	simm.s32 $0x1;
	s9 =	ssub.s32 s9, s10  }
0xa: {  	vm0 =	vcmask $0x1318;
	vm1 =	vcmask $0x171C;
	s8 =	smul.u32 $0x2710, s8;
	s10 =	simm.s32 $0x4000;
	s9 =	smax.u32 s9, $0x1  }
.LBB2_1:
0xb: {  	[tilespmem:s10], [sflag:$0x1] =	stream.linear.gather [hbm4b:s7+s2], $0x80, $0x38;
	[tilespmem:$0x4080] =	vst v63  }
0xc: {  	_ =	swait.ge [sflag:s11], $0x80  }
0xd: {  	[sflag:s11] =	ssyncset.done $0x0  }
0xe: {  	[sflag:s11] =	ssyncadd.s32 $0xFFFFFF80  }
0xf: {  	v0 =	vld [tilespmem:$0x4000];
	_ =	sdelay $0x4  }
0x10: {  	v1 =	vsel vm0, $0x0, v0  }
0x11: {  	v0 =	vsel vm1, $0x0, v0;
	(xrf2) =	vadd.scan.msk.f32 $0xffff, v1  }
0x12: {  	(xrf2) =	vadd.scan.msk.f32 $0xffff, v0;
	_ =	sdelay $0x8  }
0x13: {  	v0, _, _ =	vpop (xrf2)  }
0x14: {  	[tilespmem:s2], [sflag:$0x1] =	stream.linear.gather [hbm4b:s6+s2], $0x2800, $0x38;
	v1, _, _ =	vpop (xrf2);
	[tilespmem:$0x4080] =	vst v63  }
0x15: {  	_ =	swait.ge [sflag:s11], $0x2800  }
0x16: {  	[sflag:s11] =	ssyncset.done $0x0  }
0x17: {  	s16 =	simm.s32 $0x0;
	v0 =	vbroadcast v0, $0xF;
	v1 =	vbroadcast v1, $0xF;
	[sflag:s11] =	ssyncadd.s32 $0xFFFFD800  }
.LBB2_2:
0x18: {  	s17 =	smul.u32 $0x7D0, s16;
	_ =	sdelay $0x1  }
0x19: {  	s17 =	sadd.s32 s8, s17  }
0x1a: {  	s17 =	sshrl.u32 s17, $0x3  }
0x1b: {  	s19 =	simm.s32 $0x0;
	s18 =	sadd.s32 s4, s17  }
0x1c: {  	[tilespmem:s12], [sflag:$0x1] =	stream.linear.gather [hbm4b:s18+s19], $0x7D0, $0x38;
	[tilespmem:$0x4080] =	vst v63  }
0x1d: {  	_ =	swait.ge [sflag:s11], $0x7D0  }
0x1e: {  	[sflag:s11] =	ssyncset.done $0x0  }
0x1f: {  	s31 =	sadd.s32 s5, s17;
	[sflag:s11] =	ssyncadd.s32 $0xFFFFF830  }
0x20: {  	[tilespmem:s13], [sflag:$0x1] =	stream.linear.gather [hbm4b:s31+s19], $0x7D0, $0x38;
	[tilespmem:$0x4080] =	vst v63  }
0x21: {  	_ =	swait.ge [sflag:s11], $0x7D0  }
0x22: {  	[sflag:s11] =	ssyncset.done $0x0  }
0x23: {  	s18 =	simm.s32 $0x0;
	[sflag:s11] =	ssyncadd.s32 $0xFFFFF830  }
0x24: {  	v2 =	vld [tilespmem:s18+$0x2800];
	_ =	sdelay $0x3  }
0x25: {  	v3 =	vld [tilespmem:s18+$0x3000];
	_ =	sdelay $0x3  }
0x26: {  	v2 =	vld.idx.msk [tilespmem:v2+s2+$0x0], $0xffff  }
0x27: {  	vm2 =	veq.f32 v3, $+Inf  }
0x28: {  	v3 =	vsel vm2, $0x3F800000, v3  }
0x29: {  	s20 =	simm.s32 $0x80;
	s19 =	simm.s32 $0x10;
	v4 =	vmul.f32 v3, v0  }
.LBB2_3:
0x2a: {  	p0 =	sne.s32 s20, $0x1F00;
	v5 =	vld [tilespmem:s19+$0x2800]  }
0x2b: {  	v2 =	vmul.f32 v3, v2;
	v4 =	vadd.f32 v4, v1;
	_ =	sdelay $0x1  }
0x2c: {  	v2 =	vadd.f32 v4, v2;
	_ =	sdelay $0x1  }
0x2d: {  	v3 =	vld [tilespmem:s19+$0x3000];
	vm2 =	veq.f32 v2, $+Inf  }
0x2e: {  	v2 =	vsel vm2, $0x3F800000, v2  }
0x2f: {  	[tilespmem:s18+$0x3800] =	vst v2;
	s18 =	smov.u32 s19  }
.Ltmp0:
0x30: {  	v2 =	vld.idx.msk [tilespmem:v5+s2+$0x0], $0xffff;
	(pc) =	sbr.rel @p0 .LBB2_3-.Ltmp0, $4  }
0x31: {  	_ = 	snop  }
0x32: {  	vm2 =	veq.f32 v3, $+Inf  }
0x33: {  	v3 =	vsel vm2, $0x3F800000, v3  }
0x34: {  	s19 =	sshra.s32 s20, $0x2;
	s20 =	sadd.s32 $0x40, s20;
	v4 =	vmul.f32 v3, v0  }
0x35: {  	v5 =	vld [tilespmem:s19+$0x2800]  }
0x36: {  	v2 =	vmul.f32 v3, v2;
	v4 =	vadd.f32 v4, v1;
	_ =	sdelay $0x1  }
0x37: {  	v2 =	vadd.f32 v4, v2  }
0x38: {  	v3 =	vld [tilespmem:s19+$0x3000]  }
0x39: {  	vm2 =	veq.f32 v2, $+Inf  }
0x3a: {  	v2 =	vsel vm2, $0x3F800000, v2  }
0x3b: {  	[tilespmem:s18+$0x3800] =	vst v2  }
0x3c: {  	v2 =	vld.idx.msk [tilespmem:v5+s2+$0x0], $0xffff  }
0x3d: {  	vm2 =	veq.f32 v3, $+Inf  }
0x3e: {  	v3 =	vsel vm2, $0x3F800000, v3  }
0x3f: {  	v63 =	vmul.f32 v3, v0;
	_ =	sdelay $0x1  }
0x40: {  	v4 =	vadd.f32 v63, v1;
	v2 =	vmul.f32 v3, v2;
	_ =	sdelay $0x1  }
0x41: {  	v2 =	vadd.f32 v4, v2;
	_ =	sdelay $0x1  }
0x42: {  	s16 =	sadd.s32 $0x1, s16;
	vm2 =	veq.f32 v2, $+Inf  }
0x43: {  	p0 =	sne.s32 s16, $0x5;
	v2 =	vsel vm2, $0x3F800000, v2  }
.Ltmp1:
0x44: {  	s17 =	sadd.s32 s1, s17;
	[tilespmem:s19+$0x3800] =	vst v2;
	(pc) =	sbr.rel @p0 .LBB2_2-.Ltmp1, $4  }
0x45: {  	[hbm4b:s17+s2] =	stream.linear.scatter [tilespmem:s14], [sflag:$0x1], $0x7D0, $0x38;
	[tilespmem:$0x4080] =	vst v63  }
0x46: {  	_ =	swait.ge [sflag:s11], $0x7D0  }
0x47: {  	[sflag:s11] =	ssyncset.done $0x0  }
0x48: {  	[sflag:s11] =	ssyncadd.s32 $0xFFFFF830  }
0x49: {  	s15 =	sadd.s32 $0x1, s15  }
0x4a: {  	p0 =	sne.s32 s15, s9  }
.Ltmp2:
0x4b: {  	_ = 	snop;
	(pc) =	sbr.rel @p0 .LBB2_1-.Ltmp2, $1  }
0x4c: {  	_ =	sdelay $0x3  }
0x4d: {  	_ =	sfence.sel $0x180000  }
0x4e: {  	[bflag:$0x0] =	sbarrier.arrive $0xFFFF  }
0x4f: {  	p0 =	sne.s32 s3, $0x0;
	_ =	strace $0x9000004A  }
0x50: {  	s0 =	sadd.s32 @!p0 $0x100000, s0;
	[bflag:$0x2] =	sbarrier.arrive $0xFFFF  }
0x51: {  	[sflag:s0] =	ssyncadd.tile.s32 @!p0 $0x1;
	_ =	shalt  }
.Lfunc_end2:
_tile_overlayer_lowered:
.L_overlay_start_2:
0x52: {  	(tag) =	ssettag $0x2  }
0x53: {  	s0 =	rddreg [dreg:$0x0];
	s2 =	stileid.u32  }
0x54: {  	s1 =	rddreg [dreg:$0x1];
	p0 =	sne.s32 s2, $0x0  }
0x55: {  	s3 =	rddreg [dreg:$0x2];
	[bflag:$0x3] =	sbarrier.arrive $0xFFFF;
	s2 =	simm.s32 @!p0 $0x1C01  }
0x56: {  	[timem:s3], [sflag:s2] =	dma.local @!p0 [hbm:s0], s1  }
0x57: {  	s0 =	simm.s32 @!p0 $0x1  }
0x58: {  	_ =	swait.ge @!p0 [sflag:s0], s1  }
0x59: {  	s1 =	ssub.s32 @!p0 $0x0, s1;
	[sflag:s0] =	ssyncset.done @!p0 $0x0  }
0x5a: {  	[sflag:s0] =	ssyncadd.s32 @!p0 s1  }
0x5b: {  	[bflag:$0x3] =	sbarrier.arrive $0xFFFF  }
0x5c: {  	_ =	shalt  }

</sc_bundles>
